<compile_context>
chip_gen: v7x
topology: tpu7x:2x2x1
jax: 0.10.2.dev20260603
libtpu: 0.0.44.dev20260713+nightly
codegen_flags: <defaults>
</compile_context>

<pallas_src>
import jax
import jax.numpy as jnp
from jax import lax
from jax.experimental import pallas as pl
from jax.experimental.pallas import tpu as pltpu
from jax.experimental.pallas import tpu_sc as plsc

CAP = 100000
D = 128
B = 16384

NC = 2
NS = 16
NW = NC * NS
L = 16

W_MAIN = 3128
W_LAST = CAP - (NW - 1) * W_MAIN
ROWS_PAD = 3136
MCAP = 2048
CHUNK = 128

CROWS = 136
NCH_COPY = 23
NBUF = 4
RA = 3

FILT_STEPS = B // L
FILT_END = 16
FILT_PER_CH = FILT_STEPS // FILT_END
WSET_END = 20
COMP_STEPS = ROWS_PAD // L
COMP_PER_CH = -(-COMP_STEPS // (NCH_COPY - WSET_END))


def _sc_body(mem_hbm, idx_hbm, val_hbm, out_hbm,
             idx_v, winner_v, mpos_v, mrow_v, fpos_v, frow_v,
             rowbuf_v, cbuf_v, in_sems, out_sems, gat_sems, sct_sems):
    wid = lax.axis_index("s") * NC + lax.axis_index("c")
    lo = wid * W_MAIN
    size = jnp.where(wid == NW - 1, W_LAST, W_MAIN)

    lane = lax.iota(jnp.int32, L)
    neg1 = jnp.full((L,), -1, jnp.int32)
    ones = jnp.full((L,), 1, jnp.int32)
    zeros = jnp.full((L,), 0, jnp.int32)
    lov = jnp.full((L,), lo, jnp.int32)
    szv = jnp.full((L,), size, jnp.int32)

    def off(k):
        return jnp.minimum(k * CROWS, size - CROWS)

    def copy_in(k):
        return pltpu.make_async_copy(
            mem_hbm.at[pl.ds(lo + off(k), CROWS)],
            cbuf_v.at[k % NBUF],
            in_sems.at[k % NBUF],
        )

    def copy_out(k):
        return pltpu.make_async_copy(
            cbuf_v.at[k % NBUF],
            out_hbm.at[pl.ds(lo + off(k), CROWS)],
            out_sems.at[k % NBUF],
        )

    pltpu.sync_copy(idx_hbm, idx_v)

    def prefix_sum_excl(mi):
        return plsc.cumsum(mi) - mi

    def filt(i, cnt):
        v = idx_v[pl.ds(i * L, L)]
        local = v - lov
        m = (local >= 0) & (local < szv)
        mi = jnp.where(m, ones, zeros)
        dest = cnt + prefix_sum_excl(mi)
        plsc.store_scatter(mpos_v, [dest], i * L + lane, mask=m)
        plsc.store_scatter(mrow_v, [dest], local, mask=m)
        pc = plsc.all_reduce_population_count(m)
        return cnt + pc[0]

    def winit(i, _):
        winner_v[pl.ds(i * L, L)] = neg1
        return 0

    lax.fori_loop(0, ROWS_PAD // L, winit, 0)

    def wset(g, _):
        rows = mrow_v[pl.ds(g * L, L)]
        poss = mpos_v[pl.ds(g * L, L)]
        valid = rows >= 0
        for k in range(L):
            plsc.store_scatter(winner_v, [rows], poss,
                               mask=valid & (lane == k))
        return 0

    def compact(i, cnt2):
        w = winner_v[pl.ds(i * L, L)]
        m = w >= 0
        mi = jnp.where(m, ones, zeros)
        dest = cnt2 + prefix_sum_excl(mi)
        plsc.store_scatter(fpos_v, [dest], w, mask=m)
        plsc.store_scatter(frow_v, [dest], lo + i * L + lane, mask=m)
        pc = plsc.all_reduce_population_count(m)
        return cnt2 + pc[0]

    for k in range(RA):
        copy_in(k).start()

    def do_filt(k, cnt, cnt2):
        cnt = lax.fori_loop(k * FILT_PER_CH, (k + 1) * FILT_PER_CH,
                            filt, cnt)

        @pl.when(k == FILT_END - 1)
        def _():
            mpos_v[pl.ds(cnt, L)] = neg1
            mrow_v[pl.ds(cnt, L)] = neg1

        return (cnt, cnt2)

    def do_wset(k, cnt, cnt2):
        gmax = (cnt + L - 1) // L
        j = k - FILT_END
        gper = (gmax + (WSET_END - FILT_END) - 1) // (WSET_END - FILT_END)
        lax.fori_loop(jnp.minimum(j * gper, gmax),
                      jnp.minimum((j + 1) * gper, gmax), wset, 0)
        return (cnt, cnt2)

    def do_compact(k, cnt, cnt2):
        j = k - WSET_END
        c0 = jnp.minimum(j * COMP_PER_CH, COMP_STEPS)
        c1 = jnp.minimum((j + 1) * COMP_PER_CH, COMP_STEPS)
        cnt2 = lax.fori_loop(c0, c1, compact, cnt2)
        return (cnt, cnt2)

    def ring_step(k, carry):
        cnt, cnt2 = carry
        copy_in(k).wait()
        copy_out(k).start()

        cnt, cnt2 = lax.cond(
            k < FILT_END, do_filt,
            lambda k, cnt, cnt2: lax.cond(
                k < WSET_END, do_wset, do_compact, k, cnt, cnt2),
            k, cnt, cnt2)

        @pl.when((k + RA >= NBUF) & (k + RA < NCH_COPY))
        def _():
            copy_out(k + RA - NBUF).wait()

        @pl.when(k + RA < NCH_COPY)
        def _():
            copy_in(k + RA).start()

        return (cnt, cnt2)

    _, nfinal = lax.fori_loop(0, NCH_COPY, ring_step,
                              (jnp.int32(0), jnp.int32(0)))

    def tailfill(t, _):
        fpos_v[pl.ds(nfinal + t * L, L)] = neg1
        frow_v[pl.ds(nfinal + t * L, L)] = neg1
        return 0

    lax.fori_loop(0, CHUNK // L, tailfill, 0)

    nch = (nfinal + CHUNK - 1) // CHUNK

    def gather(c):
        b = c % 2
        gpos = plsc.Indices(fpos_v.at[pl.ds(c * CHUNK, CHUNK)],
                            ignored_value=-1)
        return pltpu.make_async_copy(val_hbm.at[gpos], rowbuf_v.at[b],
                                     gat_sems.at[b])

    def scatter(c):
        b = c % 2
        grow = plsc.Indices(frow_v.at[pl.ds(c * CHUNK, CHUNK)],
                            ignored_value=-1)
        return pltpu.make_async_copy(rowbuf_v.at[b], out_hbm.at[grow],
                                     sct_sems.at[b])

    @pl.when(nch > 0)
    def _():
        gather(0).start()

    def drain(k, _):
        copy_out(k).wait()
        return 0

    lax.fori_loop(NCH_COPY - NBUF, NCH_COPY, drain, 0)

    def scat(c, _):
        gather(c).wait()
        scatter(c).start()

        @pl.when(c > 0)
        def _():
            scatter(c - 1).wait()

        @pl.when(c + 1 < nch)
        def _():
            gather(c + 1).start()

        return 0

    lax.fori_loop(0, nch, scat, 0)

    @pl.when(nch > 0)
    def _():
        scatter(nch - 1).wait()


@jax.jit
def _scatter_sc(mem, idx, val):
    mesh = plsc.VectorSubcoreMesh(
        core_axis_name="c", subcore_axis_name="s",
        num_cores=NC, num_subcores=NS,
    )
    return pl.kernel(
        _sc_body,
        out_type=jax.ShapeDtypeStruct((CAP, D), jnp.float32),
        mesh=mesh,
        compiler_params=pltpu.CompilerParams(needs_layout_passes=False),
        scratch_types=[
            pltpu.VMEM((B,), jnp.int32),
            pltpu.VMEM((ROWS_PAD,), jnp.int32),
            pltpu.VMEM((MCAP,), jnp.int32),
            pltpu.VMEM((MCAP,), jnp.int32),
            pltpu.VMEM((MCAP + CHUNK,), jnp.int32),
            pltpu.VMEM((MCAP + CHUNK,), jnp.int32),
            pltpu.VMEM((2, CHUNK, D), jnp.float32),
            pltpu.VMEM((NBUF, CROWS, D), jnp.float32),
            pltpu.SemaphoreType.DMA((NBUF,)),
            pltpu.SemaphoreType.DMA((NBUF,)),
            pltpu.SemaphoreType.DMA((2,)),
            pltpu.SemaphoreType.DMA((2,)),
        ],
    )(mem, idx, val)


def kernel(mem, idx, val):
    return _scatter_sc(mem, idx, val)

# --- scband reference (transcript-rebuilt; emitter-appended) ---
"""Pipeline reference for scband-buffer-4191888081065 (READ-ONLY COPY).

The authoritative reference and input builder live on the scoring server;
editing this copy changes nothing except your own understanding.
"""

import jax, jax.numpy as jnp
import numpy as np

CAP = 100000
D = 128
B = 16384

def setup_inputs(seed: int = 0) -> dict:
    key = jax.random.key(seed)
    k1, k2, k3 = jax.random.split(key, 3)
    # bx buffer contents (registered buffer of shape (capacity, input_size))
    mem = jax.random.normal(k1, (CAP, D), dtype=jnp.float32)
    # reservoir slot indices (idx_buffer in add_reservoir), values in [0, capacity)
    idx = jax.random.randint(k2, (B,), 0, CAP, dtype=jnp.int32)
    # incoming batch data to be written (batch['x'][idx_new_data])
    val = jax.random.normal(k3, (B, D), dtype=jnp.float32)
    return {"mem": mem, "idx": idx, "val": val}

def reference(mem, idx, val):
    # Faithful core of Buffer.add_reservoir: buffer[idx_buffer] = data[idx_new_data]
    # i.e. a scatter-overwrite of the incoming batch rows into reservoir slots.
    updated = mem.at[idx].set(val)
    return updated

if __name__ == "__main__":
    import jax
    _d = setup_inputs()
    print(jax.jit(kernel)(*tuple(_d.values())))

</pallas_src>

<mosaic_0001>
#map = affine_map<(d0, d1) -> (0, 0)>
#map1 = affine_map<(d0, d1) -> (0)>
module attributes {stable_mosaic.version = 14 : i64} {
  func.func @_sc_body(%arg0: i32, %arg1: i32, %arg2: memref<100000x128xf32, #tpu.memory_space<hbm>>, %arg3: memref<16384xi32, #tpu.memory_space<hbm>>, %arg4: memref<16384x128xf32, #tpu.memory_space<hbm>>, %arg5: memref<100000x128xf32, #tpu.memory_space<hbm>>, %arg6: memref<16384xi32, #tpu.memory_space<vmem>>, %arg7: memref<3136xi32, #tpu.memory_space<vmem>>, %arg8: memref<2048xi32, #tpu.memory_space<vmem>>, %arg9: memref<2048xi32, #tpu.memory_space<vmem>>, %arg10: memref<2176xi32, #tpu.memory_space<vmem>>, %arg11: memref<2176xi32, #tpu.memory_space<vmem>>, %arg12: memref<2x128x128xf32, #tpu.memory_space<vmem>>, %arg13: memref<4x136x128xf32, #tpu.memory_space<vmem>>, %arg14: memref<4x!tpu.dma_semaphore, #tpu.memory_space<semaphore_mem>>, %arg15: memref<4x!tpu.dma_semaphore, #tpu.memory_space<semaphore_mem>>, %arg16: memref<2x!tpu.dma_semaphore, #tpu.memory_space<semaphore_mem>>, %arg17: memref<2x!tpu.dma_semaphore, #tpu.memory_space<semaphore_mem>>) attributes {dimension_semantics = [#tpu.dimension_semantics<core_parallel>, #tpu.dimension_semantics<subcore_parallel>], iteration_bounds = array<i64: 2, 16>, scalar_prefetch = 0 : i64, scratch_operands = 12 : i64, tpu.core_type = #tpu.core_type<sc_vector_subcore>, window_params = [{transform_indices = #map}, {transform_indices = #map1}, {transform_indices = #map}, {transform_indices = #map}]} {
    %mul3A = arith.constant 2 : i32
    %mul3A_0 = arith.muli %arg1, %mul3A : i32
    %add3A = arith.addi %mul3A_0, %arg0 : i32
    %mul3A_1 = arith.constant 3128 : i32
    %mul3A_2 = arith.muli %add3A, %mul3A_1 : i32
    %eq3A = arith.constant 31 : i32
    %eq3A_3 = arith.cmpi eq, %add3A, %eq3A : i32
    %jit3A = arith.constant 3032 : i32
    %jit3A_4 = arith.constant 3128 : i32
    %select_n3A = arith.select %eq3A_3, %jit3A, %jit3A_4 : i32
    %iota3A = tpu.iota {dimensions = array<i32: 0>} : vector<16xi32>
    %broadcast_in_dim3A = arith.constant -1 : i32
    %broadcast_in_dim3A_5 = vector.broadcast %broadcast_in_dim3A : i32 to vector<16xi32>
    %broadcast_in_dim3A_6 = arith.constant 1 : i32
    %broadcast_in_dim3A_7 = vector.broadcast %broadcast_in_dim3A_6 : i32 to vector<16xi32>
    %broadcast_in_dim3A_8 = arith.constant 0 : i32
    %broadcast_in_dim3A_9 = vector.broadcast %broadcast_in_dim3A_8 : i32 to vector<16xi32>
    %broadcast_in_dim3A_10 = vector.broadcast %mul3A_2 : i32 to vector<16xi32>
    %broadcast_in_dim3A_11 = vector.broadcast %select_n3A : i32 to vector<16xi32>
    "tpu.region"() ({
      %run_scoped3A = tpu.sem_alloc : memref<!tpu.dma_semaphore, #tpu.memory_space<semaphore_mem>>
      tpu.enqueue_dma source(%arg3 : memref<16384xi32, #tpu.memory_space<hbm>>) target(%arg6 : memref<16384xi32, #tpu.memory_space<vmem>>) target_semaphore(%run_scoped3A : memref<!tpu.dma_semaphore, #tpu.memory_space<semaphore_mem>>)
      tpu.wait_dma2 semaphore(%run_scoped3A : memref<!tpu.dma_semaphore, #tpu.memory_space<semaphore_mem>>) src(%arg3 : memref<16384xi32, #tpu.memory_space<hbm>>) dst(%arg6 : memref<16384xi32, #tpu.memory_space<vmem>>)
      tpu.yield
    }) : () -> ()
    %scan3A = arith.constant 0 : i32
    %scan3A_12 = arith.constant 0 : i32
    %scan3A_13 = arith.constant 196 : i32
    %scan3A_14 = arith.addi %scan3A_12, %scan3A_13 : i32
    %scan3A_15 = arith.constant 1 : i32
    %scan3A_16 = scf.for %scan3A_141 = %scan3A_12 to %scan3A_14 step %scan3A_15 iter_args(%scan3A_142 = %scan3A) -> (i32)  : i32 {
      %mul3A_143 = arith.constant 16 : i32
      %mul3A_144 = arith.muli %scan3A_141, %mul3A_143 : i32
      %swap3A = arith.index_cast %mul3A_144 : i32 to index
      %swap3A_145 = tpu.vector_load %arg7[%swap3A] {strides = array<i32>} : memref<3136xi32, #tpu.memory_space<vmem>>, vector<16xi32>,
      tpu.vector_store %arg7[%swap3A], %broadcast_in_dim3A_5 {strides = array<i32>} : memref<3136xi32, #tpu.memory_space<vmem>>, vector<16xi32>,
      %scan3A_146 = arith.constant 0 : i32
      scf.yield %scan3A_146 : i32
    }
    %scan3A_17 = arith.constant 196 : i32
    %sub3A = arith.constant 136 : i32
    %sub3A_18 = arith.subi %select_n3A, %sub3A : i32
    %min3A = arith.constant 0 : i32
    %min3A_19 = arith.minsi %min3A, %sub3A_18 : i32
    %add3A_20 = arith.addi %mul3A_2, %min3A_19 : i32
    %dma_start3A = arith.constant 0 : i32
    %dma_start3A_21 = arith.constant 0 : i32
    %dma_start3A_22 = arith.constant 0 : i32
    %dma_start3A_23 = arith.constant 0 : i32
    %dma_start3A_24 = tpu.memref_slice %arg13[%dma_start3A, %dma_start3A_22, %dma_start3A_23] : memref<4x136x128xf32, #tpu.memory_space<vmem>> -> memref<1x136x128xf32, #tpu.memory_space<vmem>>
    %dma_start3A_25 = tpu.memref_squeeze %dma_start3A_24 : memref<1x136x128xf32, #tpu.memory_space<vmem>> -> memref<136x128xf32, #tpu.memory_space<vmem>>
    %dma_start3A_26 = arith.constant 0 : i32
    %dma_start3A_27 = tpu.memref_slice %arg2[%add3A_20, %dma_start3A_26] : memref<100000x128xf32, #tpu.memory_space<hbm>> -> memref<136x128xf32, #tpu.memory_space<hbm>>
    %dma_start3A_28 = tpu.memref_slice %arg14[%dma_start3A_21] : memref<4x!tpu.dma_semaphore, #tpu.memory_space<semaphore_mem>> -> memref<1x!tpu.dma_semaphore, #tpu.memory_space<semaphore_mem>>
    %dma_start3A_29 = tpu.memref_squeeze %dma_start3A_28 : memref<1x!tpu.dma_semaphore, #tpu.memory_space<semaphore_mem>> -> memref<!tpu.dma_semaphore, #tpu.memory_space<semaphore_mem>>
    %dma_start3A_30 = arith.constant 0 : i32
    %dma_start3A_31 = arith.constant 0 : i32
    %dma_start3A_32 = tpu.memref_slice %arg13[%dma_start3A, %dma_start3A_30, %dma_start3A_31] : memref<4x136x128xf32, #tpu.memory_space<vmem>> -> memref<1x136x128xf32, #tpu.memory_space<vmem>>
    %dma_start3A_33 = tpu.memref_squeeze %dma_start3A_32 : memref<1x136x128xf32, #tpu.memory_space<vmem>> -> memref<136x128xf32, #tpu.memory_space<vmem>>
    %dma_start3A_34 = arith.constant 0 : i32
    %dma_start3A_35 = tpu.memref_slice %arg2[%add3A_20, %dma_start3A_34] : memref<100000x128xf32, #tpu.memory_space<hbm>> -> memref<136x128xf32, #tpu.memory_space<hbm>>
    tpu.enqueue_dma source(%dma_start3A_35 : memref<136x128xf32, #tpu.memory_space<hbm>>) target(%dma_start3A_33 : memref<136x128xf32, #tpu.memory_space<vmem>>) target_semaphore(%dma_start3A_29 : memref<!tpu.dma_semaphore, #tpu.memory_space<semaphore_mem>>)
    %sub3A_36 = arith.constant 136 : i32
    %sub3A_37 = arith.subi %select_n3A, %sub3A_36 : i32
    %min3A_38 = arith.constant 136 : i32
    %min3A_39 = arith.minsi %min3A_38, %sub3A_37 : i32
    %add3A_40 = arith.addi %mul3A_2, %min3A_39 : i32
    %dma_start3A_41 = arith.constant 1 : i32
    %dma_start3A_42 = arith.constant 1 : i32
    %dma_start3A_43 = arith.constant 0 : i32
    %dma_start3A_44 = arith.constant 0 : i32
    %dma_start3A_45 = tpu.memref_slice %arg13[%dma_start3A_41, %dma_start3A_43, %dma_start3A_44] : memref<4x136x128xf32, #tpu.memory_space<vmem>> -> memref<1x136x128xf32, #tpu.memory_space<vmem>>
    %dma_start3A_46 = tpu.memref_squeeze %dma_start3A_45 : memref<1x136x128xf32, #tpu.memory_space<vmem>> -> memref<136x128xf32, #tpu.memory_space<vmem>>
    %dma_start3A_47 = arith.constant 0 : i32
    %dma_start3A_48 = tpu.memref_slice %arg2[%add3A_40, %dma_start3A_47] : memref<100000x128xf32, #tpu.memory_space<hbm>> -> memref<136x128xf32, #tpu.memory_space<hbm>>
    %dma_start3A_49 = tpu.memref_slice %arg14[%dma_start3A_42] : memref<4x!tpu.dma_semaphore, #tpu.memory_space<semaphore_mem>> -> memref<1x!tpu.dma_semaphore, #tpu.memory_space<semaphore_mem>>
    %dma_start3A_50 = tpu.memref_squeeze %dma_start3A_49 : memref<1x!tpu.dma_semaphore, #tpu.memory_space<semaphore_mem>> -> memref<!tpu.dma_semaphore, #tpu.memory_space<semaphore_mem>>
    %dma_start3A_51 = arith.constant 0 : i32
    %dma_start3A_52 = arith.constant 0 : i32
    %dma_start3A_53 = tpu.memref_slice %arg13[%dma_start3A_41, %dma_start3A_51, %dma_start3A_52] : memref<4x136x128xf32, #tpu.memory_space<vmem>> -> memref<1x136x128xf32, #tpu.memory_space<vmem>>
    %dma_start3A_54 = tpu.memref_squeeze %dma_start3A_53 : memref<1x136x128xf32, #tpu.memory_space<vmem>> -> memref<136x128xf32, #tpu.memory_space<vmem>>
    %dma_start3A_55 = arith.constant 0 : i32
    %dma_start3A_56 = tpu.memref_slice %arg2[%add3A_40, %dma_start3A_55] : memref<100000x128xf32, #tpu.memory_space<hbm>> -> memref<136x128xf32, #tpu.memory_space<hbm>>
    tpu.enqueue_dma source(%dma_start3A_56 : memref<136x128xf32, #tpu.memory_space<hbm>>) target(%dma_start3A_54 : memref<136x128xf32, #tpu.memory_space<vmem>>) target_semaphore(%dma_start3A_50 : memref<!tpu.dma_semaphore, #tpu.memory_space<semaphore_mem>>)
    %sub3A_57 = arith.constant 136 : i32
    %sub3A_58 = arith.subi %select_n3A, %sub3A_57 : i32
    %min3A_59 = arith.constant 272 : i32
    %min3A_60 = arith.minsi %min3A_59, %sub3A_58 : i32
    %add3A_61 = arith.addi %mul3A_2, %min3A_60 : i32
    %dma_start3A_62 = arith.constant 2 : i32
    %dma_start3A_63 = arith.constant 2 : i32
    %dma_start3A_64 = arith.constant 0 : i32
    %dma_start3A_65 = arith.constant 0 : i32
    %dma_start3A_66 = tpu.memref_slice %arg13[%dma_start3A_62, %dma_start3A_64, %dma_start3A_65] : memref<4x136x128xf32, #tpu.memory_space<vmem>> -> memref<1x136x128xf32, #tpu.memory_space<vmem>>
    %dma_start3A_67 = tpu.memref_squeeze %dma_start3A_66 : memref<1x136x128xf32, #tpu.memory_space<vmem>> -> memref<136x128xf32, #tpu.memory_space<vmem>>
    %dma_start3A_68 = arith.constant 0 : i32
    %dma_start3A_69 = tpu.memref_slice %arg2[%add3A_61, %dma_start3A_68] : memref<100000x128xf32, #tpu.memory_space<hbm>> -> memref<136x128xf32, #tpu.memory_space<hbm>>
    %dma_start3A_70 = tpu.memref_slice %arg14[%dma_start3A_63] : memref<4x!tpu.dma_semaphore, #tpu.memory_space<semaphore_mem>> -> memref<1x!tpu.dma_semaphore, #tpu.memory_space<semaphore_mem>>
    %dma_start3A_71 = tpu.memref_squeeze %dma_start3A_70 : memref<1x!tpu.dma_semaphore, #tpu.memory_space<semaphore_mem>> -> memref<!tpu.dma_semaphore, #tpu.memory_space<semaphore_mem>>
    %dma_start3A_72 = arith.constant 0 : i32
    %dma_start3A_73 = arith.constant 0 : i32
    %dma_start3A_74 = tpu.memref_slice %arg13[%dma_start3A_62, %dma_start3A_72, %dma_start3A_73] : memref<4x136x128xf32, #tpu.memory_space<vmem>> -> memref<1x136x128xf32, #tpu.memory_space<vmem>>
    %dma_start3A_75 = tpu.memref_squeeze %dma_start3A_74 : memref<1x136x128xf32, #tpu.memory_space<vmem>> -> memref<136x128xf32, #tpu.memory_space<vmem>>
    %dma_start3A_76 = arith.constant 0 : i32
    %dma_start3A_77 = tpu.memref_slice %arg2[%add3A_61, %dma_start3A_76] : memref<100000x128xf32, #tpu.memory_space<hbm>> -> memref<136x128xf32, #tpu.memory_space<hbm>>
    tpu.enqueue_dma source(%dma_start3A_77 : memref<136x128xf32, #tpu.memory_space<hbm>>) target(%dma_start3A_75 : memref<136x128xf32, #tpu.memory_space<vmem>>) target_semaphore(%dma_start3A_71 : memref<!tpu.dma_semaphore, #tpu.memory_space<semaphore_mem>>)
    %scan3A_78 = arith.constant 0 : i32
    %scan3A_79 = arith.constant 0 : i32
    %scan3A_80 = arith.constant 0 : i32
    %scan3A_81 = arith.constant 23 : i32
    %scan3A_82 = arith.addi %scan3A_80, %scan3A_81 : i32
    %scan3A_83 = arith.constant 1 : i32
    %scan3A_84:2 = scf.for %scan3A_141 = %scan3A_80 to %scan3A_82 step %scan3A_83 iter_args(%scan3A_142 = %scan3A_78, %scan3A_143 = %scan3A_79) -> (i32, i32)  : i32 {
      %mul3A_144 = arith.constant 136 : i32
      %mul3A_145 = arith.muli %scan3A_141, %mul3A_144 : i32
      %sub3A_146 = arith.constant 136 : i32
      %sub3A_147 = arith.subi %select_n3A, %sub3A_146 : i32
      %min3A_148 = arith.minsi %mul3A_145, %sub3A_147 : i32
      %add3A_149 = arith.addi %mul3A_2, %min3A_148 : i32
      %jit3A_150 = arith.constant 4 : i32
      %eq3A_151 = arith.constant 0 : i32
      %eq3A_152 = arith.cmpi eq, %jit3A_150, %eq3A_151 : i32
      %jit3A_153 = arith.constant 1 : i32
      %select_n3A_154 = arith.select %eq3A_152, %jit3A_153, %jit3A_150 : i32
      %rem3A_155 = arith.remsi %scan3A_141, %select_n3A_154 : i32
      %ne3A_156 = arith.constant 0 : i32
      %ne3A_157 = arith.cmpi ne, %rem3A_155, %ne3A_156 : i32
      %lt3A = arith.constant 0 : i32
      %lt3A_158 = arith.cmpi slt, %rem3A_155, %lt3A : i32
      %lt3A_159 = arith.constant 0 : i32
      %lt3A_160 = arith.cmpi slt, %select_n3A_154, %lt3A_159 : i32
      %ne3A_161 = arith.xori %lt3A_158, %lt3A_160 : i1
      %and3A_162 = arith.andi %ne3A_161, %ne3A_157 : i1
      %add3A_163 = arith.addi %rem3A_155, %select_n3A_154 : i32
      %select_n3A_164 = arith.select %and3A_162, %add3A_163, %rem3A_155 : i32
      %jit3A_165 = arith.constant 4 : i32
      %eq3A_166 = arith.constant 0 : i32
      %eq3A_167 = arith.cmpi eq, %jit3A_165, %eq3A_166 : i32
      %jit3A_168 = arith.constant 1 : i32
      %select_n3A_169 = arith.select %eq3A_167, %jit3A_168, %jit3A_165 : i32
      %rem3A_170 = arith.remsi %scan3A_141, %select_n3A_169 : i32
      %ne3A_171 = arith.constant 0 : i32
      %ne3A_172 = arith.cmpi ne, %rem3A_170, %ne3A_171 : i32
      %lt3A_173 = arith.constant 0 : i32
      %lt3A_174 = arith.cmpi slt, %rem3A_170, %lt3A_173 : i32
      %lt3A_175 = arith.constant 0 : i32
      %lt3A_176 = arith.cmpi slt, %select_n3A_169, %lt3A_175 : i32
      %ne3A_177 = arith.xori %lt3A_174, %lt3A_176 : i1
      %and3A_178 = arith.andi %ne3A_177, %ne3A_172 : i1
      %add3A_179 = arith.addi %rem3A_170, %select_n3A_169 : i32
      %select_n3A_180 = arith.select %and3A_178, %add3A_179, %rem3A_170 : i32
      %dma_wait3A = arith.constant 0 : i32
      %dma_wait3A_181 = arith.constant 0 : i32
      %dma_wait3A_182 = tpu.memref_slice %arg13[%select_n3A_164, %dma_wait3A, %dma_wait3A_181] : memref<4x136x128xf32, #tpu.memory_space<vmem>> -> memref<1x136x128xf32, #tpu.memory_space<vmem>>
      %dma_wait3A_183 = tpu.memref_squeeze %dma_wait3A_182 : memref<1x136x128xf32, #tpu.memory_space<vmem>> -> memref<136x128xf32, #tpu.memory_space<vmem>>
      %dma_wait3A_184 = arith.constant 0 : i32
      %dma_wait3A_185 = tpu.memref_slice %arg2[%add3A_149, %dma_wait3A_184] : memref<100000x128xf32, #tpu.memory_space<hbm>> -> memref<136x128xf32, #tpu.memory_space<hbm>>
      %dma_wait3A_186 = tpu.memref_slice %arg14[%select_n3A_180] : memref<4x!tpu.dma_semaphore, #tpu.memory_space<semaphore_mem>> -> memref<1x!tpu.dma_semaphore, #tpu.memory_space<semaphore_mem>>
      %dma_wait3A_187 = tpu.memref_squeeze %dma_wait3A_186 : memref<1x!tpu.dma_semaphore, #tpu.memory_space<semaphore_mem>> -> memref<!tpu.dma_semaphore, #tpu.memory_space<semaphore_mem>>
      %dma_wait3A_188 = arith.constant 0 : i32
      %dma_wait3A_189 = arith.constant 0 : i32
      %dma_wait3A_190 = tpu.memref_slice %arg13[%select_n3A_164, %dma_wait3A_188, %dma_wait3A_189] : memref<4x136x128xf32, #tpu.memory_space<vmem>> -> memref<1x136x128xf32, #tpu.memory_space<vmem>>
      %dma_wait3A_191 = tpu.memref_squeeze %dma_wait3A_190 : memref<1x136x128xf32, #tpu.memory_space<vmem>> -> memref<136x128xf32, #tpu.memory_space<vmem>>
      %dma_wait3A_192 = arith.constant 0 : i32
      %dma_wait3A_193 = tpu.memref_slice %arg2[%add3A_149, %dma_wait3A_192] : memref<100000x128xf32, #tpu.memory_space<hbm>> -> memref<136x128xf32, #tpu.memory_space<hbm>>
      tpu.wait_dma2 semaphore(%dma_wait3A_187 : memref<!tpu.dma_semaphore, #tpu.memory_space<semaphore_mem>>) src(%dma_wait3A_193 : memref<136x128xf32, #tpu.memory_space<hbm>>) dst(%dma_wait3A_191 : memref<136x128xf32, #tpu.memory_space<vmem>>)
      %jit3A_194 = arith.constant 4 : i32
      %eq3A_195 = arith.constant 0 : i32
      %eq3A_196 = arith.cmpi eq, %jit3A_194, %eq3A_195 : i32
      %jit3A_197 = arith.constant 1 : i32
      %select_n3A_198 = arith.select %eq3A_196, %jit3A_197, %jit3A_194 : i32
      %rem3A_199 = arith.remsi %scan3A_141, %select_n3A_198 : i32
      %ne3A_200 = arith.constant 0 : i32
      %ne3A_201 = arith.cmpi ne, %rem3A_199, %ne3A_200 : i32
      %lt3A_202 = arith.constant 0 : i32
      %lt3A_203 = arith.cmpi slt, %rem3A_199, %lt3A_202 : i32
      %lt3A_204 = arith.constant 0 : i32
      %lt3A_205 = arith.cmpi slt, %select_n3A_198, %lt3A_204 : i32
      %ne3A_206 = arith.xori %lt3A_203, %lt3A_205 : i1
      %and3A_207 = arith.andi %ne3A_206, %ne3A_201 : i1
      %add3A_208 = arith.addi %rem3A_199, %select_n3A_198 : i32
      %select_n3A_209 = arith.select %and3A_207, %add3A_208, %rem3A_199 : i32
      %mul3A_210 = arith.constant 136 : i32
      %mul3A_211 = arith.muli %scan3A_141, %mul3A_210 : i32
      %sub3A_212 = arith.constant 136 : i32
      %sub3A_213 = arith.subi %select_n3A, %sub3A_212 : i32
      %min3A_214 = arith.minsi %mul3A_211, %sub3A_213 : i32
      %add3A_215 = arith.addi %mul3A_2, %min3A_214 : i32
      %jit3A_216 = arith.constant 4 : i32
      %eq3A_217 = arith.constant 0 : i32
      %eq3A_218 = arith.cmpi eq, %jit3A_216, %eq3A_217 : i32
      %jit3A_219 = arith.constant 1 : i32
      %select_n3A_220 = arith.select %eq3A_218, %jit3A_219, %jit3A_216 : i32
      %rem3A_221 = arith.remsi %scan3A_141, %select_n3A_220 : i32
      %ne3A_222 = arith.constant 0 : i32
      %ne3A_223 = arith.cmpi ne, %rem3A_221, %ne3A_222 : i32
      %lt3A_224 = arith.constant 0 : i32
      %lt3A_225 = arith.cmpi slt, %rem3A_221, %lt3A_224 : i32
      %lt3A_226 = arith.constant 0 : i32
      %lt3A_227 = arith.cmpi slt, %select_n3A_220, %lt3A_226 : i32
      %ne3A_228 = arith.xori %lt3A_225, %lt3A_227 : i1
      %and3A_229 = arith.andi %ne3A_228, %ne3A_223 : i1
      %add3A_230 = arith.addi %rem3A_221, %select_n3A_220 : i32
      %select_n3A_231 = arith.select %and3A_229, %add3A_230, %rem3A_221 : i32
      %dma_start3A_232 = arith.constant 0 : i32
      %dma_start3A_233 = arith.constant 0 : i32
      %dma_start3A_234 = tpu.memref_slice %arg13[%select_n3A_209, %dma_start3A_232, %dma_start3A_233] : memref<4x136x128xf32, #tpu.memory_space<vmem>> -> memref<1x136x128xf32, #tpu.memory_space<vmem>>
      %dma_start3A_235 = tpu.memref_squeeze %dma_start3A_234 : memref<1x136x128xf32, #tpu.memory_space<vmem>> -> memref<136x128xf32, #tpu.memory_space<vmem>>
      %dma_start3A_236 = arith.constant 0 : i32
      %dma_start3A_237 = tpu.memref_slice %arg5[%add3A_215, %dma_start3A_236] : memref<100000x128xf32, #tpu.memory_space<hbm>> -> memref<136x128xf32, #tpu.memory_space<hbm>>
      %dma_start3A_238 = tpu.memref_slice %arg15[%select_n3A_231] : memref<4x!tpu.dma_semaphore, #tpu.memory_space<semaphore_mem>> -> memref<1x!tpu.dma_semaphore, #tpu.memory_space<semaphore_mem>>
      %dma_start3A_239 = tpu.memref_squeeze %dma_start3A_238 : memref<1x!tpu.dma_semaphore, #tpu.memory_space<semaphore_mem>> -> memref<!tpu.dma_semaphore, #tpu.memory_space<semaphore_mem>>
      %dma_start3A_240 = arith.constant 0 : i32
      %dma_start3A_241 = tpu.memref_slice %arg5[%add3A_215, %dma_start3A_240] : memref<100000x128xf32, #tpu.memory_space<hbm>> -> memref<136x128xf32, #tpu.memory_space<hbm>>
      %dma_start3A_242 = arith.constant 0 : i32
      %dma_start3A_243 = arith.constant 0 : i32
      %dma_start3A_244 = tpu.memref_slice %arg13[%select_n3A_209, %dma_start3A_242, %dma_start3A_243] : memref<4x136x128xf32, #tpu.memory_space<vmem>> -> memref<1x136x128xf32, #tpu.memory_space<vmem>>
      %dma_start3A_245 = tpu.memref_squeeze %dma_start3A_244 : memref<1x136x128xf32, #tpu.memory_space<vmem>> -> memref<136x128xf32, #tpu.memory_space<vmem>>
      tpu.enqueue_dma source(%dma_start3A_245 : memref<136x128xf32, #tpu.memory_space<vmem>>) target(%dma_start3A_241 : memref<136x128xf32, #tpu.memory_space<hbm>>) target_semaphore(%dma_start3A_239 : memref<!tpu.dma_semaphore, #tpu.memory_space<semaphore_mem>>)
      %lt3A_246 = arith.constant 16 : i32
      %lt3A_247 = arith.cmpi slt, %scan3A_141, %lt3A_246 : i32
      %convert_element_type3A_248 = arith.extui %lt3A_247 : i1 to i32
      %cond3A_249 = arith.constant 0 : i32
      %cond3A_250 = arith.cmpi ne, %convert_element_type3A_248, %cond3A_249 : i32
      %cond3A_251:2 = scf.if %cond3A_250 -> (i32, i32) {
        %mul3A_270 = arith.constant 64 : i32
        %mul3A_271 = arith.muli %scan3A_141, %mul3A_270 : i32
        %add3A_272 = arith.constant 1 : i32
        %add3A_273 = arith.addi %scan3A_141, %add3A_272 : i32
        %mul3A_274 = arith.constant 64 : i32
        %mul3A_275 = arith.muli %add3A_273, %mul3A_274 : i32
        %while3A_276 = arith.subi %mul3A_275, %mul3A_271 : i32
        %while3A_277 = arith.addi %mul3A_271, %while3A_276 : i32
        %while3A_278 = arith.constant 1 : i32
        %while3A_279 = arith.divsi %while3A_276, %while3A_278 : i32
        %while3A_280 = arith.muli %while3A_279, %while3A_278 : i32
        %while3A_281 = arith.addi %mul3A_271, %while3A_280 : i32
        %while3A_282 = arith.constant 1 : i32
        %while3A_283 = scf.for %while3A_291 = %mul3A_271 to %while3A_281 step %while3A_282 iter_args(%while3A_292 = %scan3A_142) -> (i32)  : i32 {
          %mul3A_293 = arith.constant 16 : i32
          %mul3A_294 = arith.muli %while3A_291, %mul3A_293 : i32
          %get3A = arith.index_cast %mul3A_294 : i32 to index
          %get3A_295 = tpu.vector_load %arg6[%get3A] {strides = array<i32>} : memref<16384xi32, #tpu.memory_space<vmem>>, vector<16xi32>,
          %sub3A_296 = arith.subi %get3A_295, %broadcast_in_dim3A_10 : vector<16xi32>
          %ge3A_297 = arith.constant 0 : i32
          %ge3A_298 = vector.broadcast %ge3A_297 : i32 to vector<16xi32>
          %ge3A_299 = arith.cmpi sge, %sub3A_296, %ge3A_298 : vector<16xi32>
          %lt3A_300 = arith.cmpi slt, %sub3A_296, %broadcast_in_dim3A_11 : vector<16xi32>
          %and3A_301 = arith.andi %ge3A_299, %lt3A_300 : vector<16xi1>
          %select_n3A_302 = arith.select %and3A_301, %broadcast_in_dim3A_7, %broadcast_in_dim3A_9 : vector<16xi1>, vector<16xi32>
          %broadcast_in_dim3A_303 = arith.constant true
          %broadcast_in_dim3A_304 = vector.broadcast %broadcast_in_dim3A_303 : i1 to vector<16xi1>
          %masked_cumsum3A = tpu.scan <sum>, %select_n3A_302 masked %broadcast_in_dim3A_304 : vector<16xi32>, vector<16xi1> -> vector<16xi32>
          %sub3A_305 = arith.subi %masked_cumsum3A, %select_n3A_302 : vector<16xi32>
          %add3A_306 = vector.broadcast %while3A_292 : i32 to vector<16xi32>
          %add3A_307 = arith.addi %add3A_306, %sub3A_305 : vector<16xi32>
          %mul3A_308 = arith.constant 16 : i32
          %mul3A_309 = arith.muli %while3A_291, %mul3A_308 : i32
          %add3A_310 = vector.broadcast %mul3A_309 : i32 to vector<16xi32>
          %add3A_311 = arith.addi %add3A_310, %iota3A : vector<16xi32>
          tpu.vector_store_idx %arg8[%add3A_307], %add3A_311 masked %and3A_301 : memref<2048xi32, #tpu.memory_space<vmem>>[vector<16xi32>], vector<16xi32>, vector<16xi1>
          tpu.vector_store_idx %arg9[%add3A_307], %sub3A_296 masked %and3A_301 : memref<2048xi32, #tpu.memory_space<vmem>>[vector<16xi32>], vector<16xi32>, vector<16xi1>
          %all_reduce_population_count3A = tpu.all_reduce %and3A_301 {dim = 0 : i64, kind = #tpu.reduction_kind<sum>} : vector<16xi1> -> vector<16xi32>
          %slice3A = vector.extract_strided_slice %all_reduce_population_count3A {offsets = [0], sizes = [1], strides = [1]} : vector<16xi32> to vector<1xi32>
          %squeeze3A = vector.extract %slice3A[0] : i32 from vector<1xi32>
          %add3A_312 = arith.addi %while3A_292, %squeeze3A : i32
          scf.yield %add3A_312 : i32
        }
        %while3A_284 = arith.constant 1 : i32
        %while3A_285 = scf.for %while3A_291 = %while3A_281 to %while3A_277 step %while3A_284 iter_args(%while3A_292 = %while3A_283) -> (i32)  : i32 {
          %mul3A_293 = arith.constant 16 : i32
          %mul3A_294 = arith.muli %while3A_291, %mul3A_293 : i32
          %get3A = arith.index_cast %mul3A_294 : i32 to index
          %get3A_295 = tpu.vector_load %arg6[%get3A] {strides = array<i32>} : memref<16384xi32, #tpu.memory_space<vmem>>, vector<16xi32>,
          %sub3A_296 = arith.subi %get3A_295, %broadcast_in_dim3A_10 : vector<16xi32>
          %ge3A_297 = arith.constant 0 : i32
          %ge3A_298 = vector.broadcast %ge3A_297 : i32 to vector<16xi32>
          %ge3A_299 = arith.cmpi sge, %sub3A_296, %ge3A_298 : vector<16xi32>
          %lt3A_300 = arith.cmpi slt, %sub3A_296, %broadcast_in_dim3A_11 : vector<16xi32>
          %and3A_301 = arith.andi %ge3A_299, %lt3A_300 : vector<16xi1>
          %select_n3A_302 = arith.select %and3A_301, %broadcast_in_dim3A_7, %broadcast_in_dim3A_9 : vector<16xi1>, vector<16xi32>
          %broadcast_in_dim3A_303 = arith.constant true
          %broadcast_in_dim3A_304 = vector.broadcast %broadcast_in_dim3A_303 : i1 to vector<16xi1>
          %masked_cumsum3A = tpu.scan <sum>, %select_n3A_302 masked %broadcast_in_dim3A_304 : vector<16xi32>, vector<16xi1> -> vector<16xi32>
          %sub3A_305 = arith.subi %masked_cumsum3A, %select_n3A_302 : vector<16xi32>
          %add3A_306 = vector.broadcast %while3A_292 : i32 to vector<16xi32>
          %add3A_307 = arith.addi %add3A_306, %sub3A_305 : vector<16xi32>
          %mul3A_308 = arith.constant 16 : i32
          %mul3A_309 = arith.muli %while3A_291, %mul3A_308 : i32
          %add3A_310 = vector.broadcast %mul3A_309 : i32 to vector<16xi32>
          %add3A_311 = arith.addi %add3A_310, %iota3A : vector<16xi32>
          tpu.vector_store_idx %arg8[%add3A_307], %add3A_311 masked %and3A_301 : memref<2048xi32, #tpu.memory_space<vmem>>[vector<16xi32>], vector<16xi32>, vector<16xi1>
          tpu.vector_store_idx %arg9[%add3A_307], %sub3A_296 masked %and3A_301 : memref<2048xi32, #tpu.memory_space<vmem>>[vector<16xi32>], vector<16xi32>, vector<16xi1>
          %all_reduce_population_count3A = tpu.all_reduce %and3A_301 {dim = 0 : i64, kind = #tpu.reduction_kind<sum>} : vector<16xi1> -> vector<16xi32>
          %slice3A = vector.extract_strided_slice %all_reduce_population_count3A {offsets = [0], sizes = [1], strides = [1]} : vector<16xi32> to vector<1xi32>
          %squeeze3A = vector.extract %slice3A[0] : i32 from vector<1xi32>
          %add3A_312 = arith.addi %while3A_292, %squeeze3A : i32
          scf.yield %add3A_312 : i32
        }
        %eq3A_286 = arith.constant 15 : i32
        %eq3A_287 = arith.cmpi eq, %scan3A_141, %eq3A_286 : i32
        %convert_element_type3A_288 = arith.extui %eq3A_287 : i1 to i32
        %cond3A_289 = arith.constant 0 : i32
        %cond3A_290 = arith.cmpi ne, %convert_element_type3A_288, %cond3A_289 : i32
        scf.if %cond3A_290 {
          %swap3A = arith.index_cast %while3A_285 : i32 to index
          %swap3A_291 = tpu.vector_load %arg8[%swap3A] {strides = array<i32>} : memref<2048xi32, #tpu.memory_space<vmem>>, vector<16xi32>,
          tpu.vector_store %arg8[%swap3A], %broadcast_in_dim3A_5 {strides = array<i32>} : memref<2048xi32, #tpu.memory_space<vmem>>, vector<16xi32>,
          %swap3A_292 = arith.index_cast %while3A_285 : i32 to index
          %swap3A_293 = tpu.vector_load %arg9[%swap3A_292] {strides = array<i32>} : memref<2048xi32, #tpu.memory_space<vmem>>, vector<16xi32>,
          tpu.vector_store %arg9[%swap3A_292], %broadcast_in_dim3A_5 {strides = array<i32>} : memref<2048xi32, #tpu.memory_space<vmem>>, vector<16xi32>,
        } else {
        }
        scf.yield %while3A_285, %scan3A_143 : i32, i32
      } else {
        %lt3A_270 = arith.constant 20 : i32
        %lt3A_271 = arith.cmpi slt, %scan3A_141, %lt3A_270 : i32
        %convert_element_type3A_272 = arith.extui %lt3A_271 : i1 to i32
        %cond3A_273 = arith.constant 0 : i32
        %cond3A_274 = arith.cmpi ne, %convert_element_type3A_272, %cond3A_273 : i32
        %cond3A_275 = scf.if %cond3A_274 -> (i32) {
          %add3A_276 = arith.constant 16 : i32
          %add3A_277 = arith.addi %scan3A_142, %add3A_276 : i32
          %sub3A_278 = arith.constant 1 : i32
          %sub3A_279 = arith.subi %add3A_277, %sub3A_278 : i32
          %jit3A_280 = arith.constant 16 : i32
          %div3A_281 = arith.divsi %sub3A_279, %jit3A_280 : i32
          %sign3A_282 = arith.constant 0 : i32
          %sign3A_283 = arith.cmpi sgt, %sub3A_279, %sign3A_282 : i32
          %sign3A_284 = arith.extui %sign3A_283 : i1 to i32
          %sign3A_285 = arith.constant 0 : i32
          %sign3A_286 = arith.cmpi slt, %sub3A_279, %sign3A_285 : i32
          %sign3A_287 = arith.extui %sign3A_286 : i1 to i32
          %sign3A_288 = arith.subi %sign3A_284, %sign3A_287 : i32
          %sign3A_289 = arith.constant 0 : i32
          %sign3A_290 = arith.cmpi sgt, %jit3A_280, %sign3A_289 : i32
          %sign3A_291 = arith.extui %sign3A_290 : i1 to i32
          %sign3A_292 = arith.constant 0 : i32
          %sign3A_293 = arith.cmpi slt, %jit3A_280, %sign3A_292 : i32
          %sign3A_294 = arith.extui %sign3A_293 : i1 to i32
          %sign3A_295 = arith.subi %sign3A_291, %sign3A_294 : i32
          %ne3A_296 = arith.cmpi ne, %sign3A_288, %sign3A_295 : i32
          %rem3A_297 = arith.remsi %sub3A_279, %jit3A_280 : i32
          %ne3A_298 = arith.constant 0 : i32
          %ne3A_299 = arith.cmpi ne, %rem3A_297, %ne3A_298 : i32
          %and3A_300 = arith.andi %ne3A_296, %ne3A_299 : i1
          %sub3A_301 = arith.constant 1 : i32
          %sub3A_302 = arith.subi %div3A_281, %sub3A_301 : i32
          %select_n3A_303 = arith.select %and3A_300, %sub3A_302, %div3A_281 : i32
          %sub3A_304 = arith.constant 16 : i32
          %sub3A_305 = arith.subi %scan3A_141, %sub3A_304 : i32
          %add3A_306 = arith.constant 4 : i32
          %add3A_307 = arith.addi %select_n3A_303, %add3A_306 : i32
          %sub3A_308 = arith.constant 1 : i32
          %sub3A_309 = arith.subi %add3A_307, %sub3A_308 : i32
          %jit3A_310 = arith.constant 4 : i32
          %div3A_311 = arith.divsi %sub3A_309, %jit3A_310 : i32
          %sign3A_312 = arith.constant 0 : i32
          %sign3A_313 = arith.cmpi sgt, %sub3A_309, %sign3A_312 : i32
          %sign3A_314 = arith.extui %sign3A_313 : i1 to i32
          %sign3A_315 = arith.constant 0 : i32
          %sign3A_316 = arith.cmpi slt, %sub3A_309, %sign3A_315 : i32
          %sign3A_317 = arith.extui %sign3A_316 : i1 to i32
          %sign3A_318 = arith.subi %sign3A_314, %sign3A_317 : i32
          %sign3A_319 = arith.constant 0 : i32
          %sign3A_320 = arith.cmpi sgt, %jit3A_310, %sign3A_319 : i32
          %sign3A_321 = arith.extui %sign3A_320 : i1 to i32
          %sign3A_322 = arith.constant 0 : i32
          %sign3A_323 = arith.cmpi slt, %jit3A_310, %sign3A_322 : i32
          %sign3A_324 = arith.extui %sign3A_323 : i1 to i32
          %sign3A_325 = arith.subi %sign3A_321, %sign3A_324 : i32
          %ne3A_326 = arith.cmpi ne, %sign3A_318, %sign3A_325 : i32
          %rem3A_327 = arith.remsi %sub3A_309, %jit3A_310 : i32
          %ne3A_328 = arith.constant 0 : i32
          %ne3A_329 = arith.cmpi ne, %rem3A_327, %ne3A_328 : i32
          %and3A_330 = arith.andi %ne3A_326, %ne3A_329 : i1
          %sub3A_331 = arith.constant 1 : i32
          %sub3A_332 = arith.subi %div3A_311, %sub3A_331 : i32
          %select_n3A_333 = arith.select %and3A_330, %sub3A_332, %div3A_311 : i32
          %mul3A_334 = arith.muli %sub3A_305, %select_n3A_333 : i32
          %min3A_335 = arith.minsi %mul3A_334, %select_n3A_303 : i32
          %add3A_336 = arith.constant 1 : i32
          %add3A_337 = arith.addi %sub3A_305, %add3A_336 : i32
          %mul3A_338 = arith.muli %add3A_337, %select_n3A_333 : i32
          %min3A_339 = arith.minsi %mul3A_338, %select_n3A_303 : i32
          %while3A_340 = arith.constant 0 : i32
          %while3A_341 = arith.subi %min3A_339, %min3A_335 : i32
          %while3A_342 = arith.addi %min3A_335, %while3A_341 : i32
          %while3A_343 = arith.constant 1 : i32
          %while3A_344 = arith.divsi %while3A_341, %while3A_343 : i32
          %while3A_345 = arith.muli %while3A_344, %while3A_343 : i32
          %while3A_346 = arith.addi %min3A_335, %while3A_345 : i32
          %while3A_347 = arith.constant 1 : i32
          %while3A_348 = scf.for %while3A_351 = %min3A_335 to %while3A_346 step %while3A_347 iter_args(%while3A_352 = %while3A_340) -> (i32)  : i32 {
            %mul3A_353 = arith.constant 16 : i32
            %mul3A_354 = arith.muli %while3A_351, %mul3A_353 : i32
            %get3A = arith.index_cast %mul3A_354 : i32 to index
            %get3A_355 = tpu.vector_load %arg9[%get3A] {strides = array<i32>} : memref<2048xi32, #tpu.memory_space<vmem>>, vector<16xi32>,
            %mul3A_356 = arith.constant 16 : i32
            %mul3A_357 = arith.muli %while3A_351, %mul3A_356 : i32
            %get3A_358 = arith.index_cast %mul3A_357 : i32 to index
            %get3A_359 = tpu.vector_load %arg8[%get3A_358] {strides = array<i32>} : memref<2048xi32, #tpu.memory_space<vmem>>, vector<16xi32>,
            %ge3A_360 = arith.constant 0 : i32
            %ge3A_361 = vector.broadcast %ge3A_360 : i32 to vector<16xi32>
            %ge3A_362 = arith.cmpi sge, %get3A_355, %ge3A_361 : vector<16xi32>
            %eq3A_363 = arith.constant 0 : i32
            %eq3A_364 = vector.broadcast %eq3A_363 : i32 to vector<16xi32>
            %eq3A_365 = arith.cmpi eq, %iota3A, %eq3A_364 : vector<16xi32>
            %and3A_366 = arith.andi %ge3A_362, %eq3A_365 : vector<16xi1>
            tpu.vector_store_idx %arg7[%get3A_355], %get3A_359 masked %and3A_366 : memref<3136xi32, #tpu.memory_space<vmem>>[vector<16xi32>], vector<16xi32>, vector<16xi1>
            %eq3A_367 = arith.constant 1 : i32
            %eq3A_368 = vector.broadcast %eq3A_367 : i32 to vector<16xi32>
            %eq3A_369 = arith.cmpi eq, %iota3A, %eq3A_368 : vector<16xi32>
            %and3A_370 = arith.andi %ge3A_362, %eq3A_369 : vector<16xi1>
            tpu.vector_store_idx %arg7[%get3A_355], %get3A_359 masked %and3A_370 : memref<3136xi32, #tpu.memory_space<vmem>>[vector<16xi32>], vector<16xi32>, vector<16xi1>
            %eq3A_371 = arith.constant 2 : i32
            %eq3A_372 = vector.broadcast %eq3A_371 : i32 to vector<16xi32>
            %eq3A_373 = arith.cmpi eq, %iota3A, %eq3A_372 : vector<16xi32>
            %and3A_374 = arith.andi %ge3A_362, %eq3A_373 : vector<16xi1>
            tpu.vector_store_idx %arg7[%get3A_355], %get3A_359 masked %and3A_374 : memref<3136xi32, #tpu.memory_space<vmem>>[vector<16xi32>], vector<16xi32>, vector<16xi1>
            %eq3A_375 = arith.constant 3 : i32
            %eq3A_376 = vector.broadcast %eq3A_375 : i32 to vector<16xi32>
            %eq3A_377 = arith.cmpi eq, %iota3A, %eq3A_376 : vector<16xi32>
            %and3A_378 = arith.andi %ge3A_362, %eq3A_377 : vector<16xi1>
            tpu.vector_store_idx %arg7[%get3A_355], %get3A_359 masked %and3A_378 : memref<3136xi32, #tpu.memory_space<vmem>>[vector<16xi32>], vector<16xi32>, vector<16xi1>
            %eq3A_379 = arith.constant 4 : i32
            %eq3A_380 = vector.broadcast %eq3A_379 : i32 to vector<16xi32>
            %eq3A_381 = arith.cmpi eq, %iota3A, %eq3A_380 : vector<16xi32>
            %and3A_382 = arith.andi %ge3A_362, %eq3A_381 : vector<16xi1>
            tpu.vector_store_idx %arg7[%get3A_355], %get3A_359 masked %and3A_382 : memref<3136xi32, #tpu.memory_space<vmem>>[vector<16xi32>], vector<16xi32>, vector<16xi1>
            %eq3A_383 = arith.constant 5 : i32
            %eq3A_384 = vector.broadcast %eq3A_383 : i32 to vector<16xi32>
            %eq3A_385 = arith.cmpi eq, %iota3A, %eq3A_384 : vector<16xi32>
            %and3A_386 = arith.andi %ge3A_362, %eq3A_385 : vector<16xi1>
            tpu.vector_store_idx %arg7[%get3A_355], %get3A_359 masked %and3A_386 : memref<3136xi32, #tpu.memory_space<vmem>>[vector<16xi32>], vector<16xi32>, vector<16xi1>
            %eq3A_387 = arith.constant 6 : i32
            %eq3A_388 = vector.broadcast %eq3A_387 : i32 to vector<16xi32>
            %eq3A_389 = arith.cmpi eq, %iota3A, %eq3A_388 : vector<16xi32>
            %and3A_390 = arith.andi %ge3A_362, %eq3A_389 : vector<16xi1>
            tpu.vector_store_idx %arg7[%get3A_355], %get3A_359 masked %and3A_390 : memref<3136xi32, #tpu.memory_space<vmem>>[vector<16xi32>], vector<16xi32>, vector<16xi1>
            %eq3A_391 = arith.constant 7 : i32
            %eq3A_392 = vector.broadcast %eq3A_391 : i32 to vector<16xi32>
            %eq3A_393 = arith.cmpi eq, %iota3A, %eq3A_392 : vector<16xi32>
            %and3A_394 = arith.andi %ge3A_362, %eq3A_393 : vector<16xi1>
            tpu.vector_store_idx %arg7[%get3A_355], %get3A_359 masked %and3A_394 : memref<3136xi32, #tpu.memory_space<vmem>>[vector<16xi32>], vector<16xi32>, vector<16xi1>
            %eq3A_395 = arith.constant 8 : i32
            %eq3A_396 = vector.broadcast %eq3A_395 : i32 to vector<16xi32>
            %eq3A_397 = arith.cmpi eq, %iota3A, %eq3A_396 : vector<16xi32>
            %and3A_398 = arith.andi %ge3A_362, %eq3A_397 : vector<16xi1>
            tpu.vector_store_idx %arg7[%get3A_355], %get3A_359 masked %and3A_398 : memref<3136xi32, #tpu.memory_space<vmem>>[vector<16xi32>], vector<16xi32>, vector<16xi1>
            %eq3A_399 = arith.constant 9 : i32
            %eq3A_400 = vector.broadcast %eq3A_399 : i32 to vector<16xi32>
            %eq3A_401 = arith.cmpi eq, %iota3A, %eq3A_400 : vector<16xi32>
            %and3A_402 = arith.andi %ge3A_362, %eq3A_401 : vector<16xi1>
            tpu.vector_store_idx %arg7[%get3A_355], %get3A_359 masked %and3A_402 : memref<3136xi32, #tpu.memory_space<vmem>>[vector<16xi32>], vector<16xi32>, vector<16xi1>
            %eq3A_403 = arith.constant 10 : i32
            %eq3A_404 = vector.broadcast %eq3A_403 : i32 to vector<16xi32>
            %eq3A_405 = arith.cmpi eq, %iota3A, %eq3A_404 : vector<16xi32>
            %and3A_406 = arith.andi %ge3A_362, %eq3A_405 : vector<16xi1>
            tpu.vector_store_idx %arg7[%get3A_355], %get3A_359 masked %and3A_406 : memref<3136xi32, #tpu.memory_space<vmem>>[vector<16xi32>], vector<16xi32>, vector<16xi1>
            %eq3A_407 = arith.constant 11 : i32
            %eq3A_408 = vector.broadcast %eq3A_407 : i32 to vector<16xi32>
            %eq3A_409 = arith.cmpi eq, %iota3A, %eq3A_408 : vector<16xi32>
            %and3A_410 = arith.andi %ge3A_362, %eq3A_409 : vector<16xi1>
            tpu.vector_store_idx %arg7[%get3A_355], %get3A_359 masked %and3A_410 : memref<3136xi32, #tpu.memory_space<vmem>>[vector<16xi32>], vector<16xi32>, vector<16xi1>
            %eq3A_411 = arith.constant 12 : i32
            %eq3A_412 = vector.broadcast %eq3A_411 : i32 to vector<16xi32>
            %eq3A_413 = arith.cmpi eq, %iota3A, %eq3A_412 : vector<16xi32>
            %and3A_414 = arith.andi %ge3A_362, %eq3A_413 : vector<16xi1>
            tpu.vector_store_idx %arg7[%get3A_355], %get3A_359 masked %and3A_414 : memref<3136xi32, #tpu.memory_space<vmem>>[vector<16xi32>], vector<16xi32>, vector<16xi1>
            %eq3A_415 = arith.constant 13 : i32
            %eq3A_416 = vector.broadcast %eq3A_415 : i32 to vector<16xi32>
            %eq3A_417 = arith.cmpi eq, %iota3A, %eq3A_416 : vector<16xi32>
            %and3A_418 = arith.andi %ge3A_362, %eq3A_417 : vector<16xi1>
            tpu.vector_store_idx %arg7[%get3A_355], %get3A_359 masked %and3A_418 : memref<3136xi32, #tpu.memory_space<vmem>>[vector<16xi32>], vector<16xi32>, vector<16xi1>
            %eq3A_419 = arith.constant 14 : i32
            %eq3A_420 = vector.broadcast %eq3A_419 : i32 to vector<16xi32>
            %eq3A_421 = arith.cmpi eq, %iota3A, %eq3A_420 : vector<16xi32>
            %and3A_422 = arith.andi %ge3A_362, %eq3A_421 : vector<16xi1>
            tpu.vector_store_idx %arg7[%get3A_355], %get3A_359 masked %and3A_422 : memref<3136xi32, #tpu.memory_space<vmem>>[vector<16xi32>], vector<16xi32>, vector<16xi1>
            %eq3A_423 = arith.constant 15 : i32
            %eq3A_424 = vector.broadcast %eq3A_423 : i32 to vector<16xi32>
            %eq3A_425 = arith.cmpi eq, %iota3A, %eq3A_424 : vector<16xi32>
            %and3A_426 = arith.andi %ge3A_362, %eq3A_425 : vector<16xi1>
            tpu.vector_store_idx %arg7[%get3A_355], %get3A_359 masked %and3A_426 : memref<3136xi32, #tpu.memory_space<vmem>>[vector<16xi32>], vector<16xi32>, vector<16xi1>
            %while3A_427 = arith.constant 0 : i32
            scf.yield %while3A_427 : i32
          }
          %while3A_349 = arith.constant 1 : i32
          %while3A_350 = scf.for %while3A_351 = %while3A_346 to %while3A_342 step %while3A_349 iter_args(%while3A_352 = %while3A_348) -> (i32)  : i32 {
            %mul3A_353 = arith.constant 16 : i32
            %mul3A_354 = arith.muli %while3A_351, %mul3A_353 : i32
            %get3A = arith.index_cast %mul3A_354 : i32 to index
            %get3A_355 = tpu.vector_load %arg9[%get3A] {strides = array<i32>} : memref<2048xi32, #tpu.memory_space<vmem>>, vector<16xi32>,
            %mul3A_356 = arith.constant 16 : i32
            %mul3A_357 = arith.muli %while3A_351, %mul3A_356 : i32
            %get3A_358 = arith.index_cast %mul3A_357 : i32 to index
            %get3A_359 = tpu.vector_load %arg8[%get3A_358] {strides = array<i32>} : memref<2048xi32, #tpu.memory_space<vmem>>, vector<16xi32>,
            %ge3A_360 = arith.constant 0 : i32
            %ge3A_361 = vector.broadcast %ge3A_360 : i32 to vector<16xi32>
            %ge3A_362 = arith.cmpi sge, %get3A_355, %ge3A_361 : vector<16xi32>
            %eq3A_363 = arith.constant 0 : i32
            %eq3A_364 = vector.broadcast %eq3A_363 : i32 to vector<16xi32>
            %eq3A_365 = arith.cmpi eq, %iota3A, %eq3A_364 : vector<16xi32>
            %and3A_366 = arith.andi %ge3A_362, %eq3A_365 : vector<16xi1>
            tpu.vector_store_idx %arg7[%get3A_355], %get3A_359 masked %and3A_366 : memref<3136xi32, #tpu.memory_space<vmem>>[vector<16xi32>], vector<16xi32>, vector<16xi1>
            %eq3A_367 = arith.constant 1 : i32
            %eq3A_368 = vector.broadcast %eq3A_367 : i32 to vector<16xi32>
            %eq3A_369 = arith.cmpi eq, %iota3A, %eq3A_368 : vector<16xi32>
            %and3A_370 = arith.andi %ge3A_362, %eq3A_369 : vector<16xi1>
            tpu.vector_store_idx %arg7[%get3A_355], %get3A_359 masked %and3A_370 : memref<3136xi32, #tpu.memory_space<vmem>>[vector<16xi32>], vector<16xi32>, vector<16xi1>
            %eq3A_371 = arith.constant 2 : i32
            %eq3A_372 = vector.broadcast %eq3A_371 : i32 to vector<16xi32>
            %eq3A_373 = arith.cmpi eq, %iota3A, %eq3A_372 : vector<16xi32>
            %and3A_374 = arith.andi %ge3A_362, %eq3A_373 : vector<16xi1>
            tpu.vector_store_idx %arg7[%get3A_355], %get3A_359 masked %and3A_374 : memref<3136xi32, #tpu.memory_space<vmem>>[vector<16xi32>], vector<16xi32>, vector<16xi1>
            %eq3A_375 = arith.constant 3 : i32
            %eq3A_376 = vector.broadcast %eq3A_375 : i32 to vector<16xi32>
            %eq3A_377 = arith.cmpi eq, %iota3A, %eq3A_376 : vector<16xi32>
            %and3A_378 = arith.andi %ge3A_362, %eq3A_377 : vector<16xi1>
            tpu.vector_store_idx %arg7[%get3A_355], %get3A_359 masked %and3A_378 : memref<3136xi32, #tpu.memory_space<vmem>>[vector<16xi32>], vector<16xi32>, vector<16xi1>
            %eq3A_379 = arith.constant 4 : i32
            %eq3A_380 = vector.broadcast %eq3A_379 : i32 to vector<16xi32>
            %eq3A_381 = arith.cmpi eq, %iota3A, %eq3A_380 : vector<16xi32>
            %and3A_382 = arith.andi %ge3A_362, %eq3A_381 : vector<16xi1>
            tpu.vector_store_idx %arg7[%get3A_355], %get3A_359 masked %and3A_382 : memref<3136xi32, #tpu.memory_space<vmem>>[vector<16xi32>], vector<16xi32>, vector<16xi1>
            %eq3A_383 = arith.constant 5 : i32
            %eq3A_384 = vector.broadcast %eq3A_383 : i32 to vector<16xi32>
            %eq3A_385 = arith.cmpi eq, %iota3A, %eq3A_384 : vector<16xi32>
            %and3A_386 = arith.andi %ge3A_362, %eq3A_385 : vector<16xi1>
            tpu.vector_store_idx %arg7[%get3A_355], %get3A_359 masked %and3A_386 : memref<3136xi32, #tpu.memory_space<vmem>>[vector<16xi32>], vector<16xi32>, vector<16xi1>
            %eq3A_387 = arith.constant 6 : i32
            %eq3A_388 = vector.broadcast %eq3A_387 : i32 to vector<16xi32>
            %eq3A_389 = arith.cmpi eq, %iota3A, %eq3A_388 : vector<16xi32>
            %and3A_390 = arith.andi %ge3A_362, %eq3A_389 : vector<16xi1>
            tpu.vector_store_idx %arg7[%get3A_355], %get3A_359 masked %and3A_390 : memref<3136xi32, #tpu.memory_space<vmem>>[vector<16xi32>], vector<16xi32>, vector<16xi1>
            %eq3A_391 = arith.constant 7 : i32
            %eq3A_392 = vector.broadcast %eq3A_391 : i32 to vector<16xi32>
            %eq3A_393 = arith.cmpi eq, %iota3A, %eq3A_392 : vector<16xi32>
            %and3A_394 = arith.andi %ge3A_362, %eq3A_393 : vector<16xi1>
            tpu.vector_store_idx %arg7[%get3A_355], %get3A_359 masked %and3A_394 : memref<3136xi32, #tpu.memory_space<vmem>>[vector<16xi32>], vector<16xi32>, vector<16xi1>
            %eq3A_395 = arith.constant 8 : i32
            %eq3A_396 = vector.broadcast %eq3A_395 : i32 to vector<16xi32>
            %eq3A_397 = arith.cmpi eq, %iota3A, %eq3A_396 : vector<16xi32>
            %and3A_398 = arith.andi %ge3A_362, %eq3A_397 : vector<16xi1>
            tpu.vector_store_idx %arg7[%get3A_355], %get3A_359 masked %and3A_398 : memref<3136xi32, #tpu.memory_space<vmem>>[vector<16xi32>], vector<16xi32>, vector<16xi1>
            %eq3A_399 = arith.constant 9 : i32
            %eq3A_400 = vector.broadcast %eq3A_399 : i32 to vector<16xi32>
            %eq3A_401 = arith.cmpi eq, %iota3A, %eq3A_400 : vector<16xi32>
            %and3A_402 = arith.andi %ge3A_362, %eq3A_401 : vector<16xi1>
            tpu.vector_store_idx %arg7[%get3A_355], %get3A_359 masked %and3A_402 : memref<3136xi32, #tpu.memory_space<vmem>>[vector<16xi32>], vector<16xi32>, vector<16xi1>
            %eq3A_403 = arith.constant 10 : i32
            %eq3A_404 = vector.broadcast %eq3A_403 : i32 to vector<16xi32>
            %eq3A_405 = arith.cmpi eq, %iota3A, %eq3A_404 : vector<16xi32>
            %and3A_406 = arith.andi %ge3A_362, %eq3A_405 : vector<16xi1>
            tpu.vector_store_idx %arg7[%get3A_355], %get3A_359 masked %and3A_406 : memref<3136xi32, #tpu.memory_space<vmem>>[vector<16xi32>], vector<16xi32>, vector<16xi1>
            %eq3A_407 = arith.constant 11 : i32
            %eq3A_408 = vector.broadcast %eq3A_407 : i32 to vector<16xi32>
            %eq3A_409 = arith.cmpi eq, %iota3A, %eq3A_408 : vector<16xi32>
            %and3A_410 = arith.andi %ge3A_362, %eq3A_409 : vector<16xi1>
            tpu.vector_store_idx %arg7[%get3A_355], %get3A_359 masked %and3A_410 : memref<3136xi32, #tpu.memory_space<vmem>>[vector<16xi32>], vector<16xi32>, vector<16xi1>
            %eq3A_411 = arith.constant 12 : i32
            %eq3A_412 = vector.broadcast %eq3A_411 : i32 to vector<16xi32>
            %eq3A_413 = arith.cmpi eq, %iota3A, %eq3A_412 : vector<16xi32>
            %and3A_414 = arith.andi %ge3A_362, %eq3A_413 : vector<16xi1>
            tpu.vector_store_idx %arg7[%get3A_355], %get3A_359 masked %and3A_414 : memref<3136xi32, #tpu.memory_space<vmem>>[vector<16xi32>], vector<16xi32>, vector<16xi1>
            %eq3A_415 = arith.constant 13 : i32
            %eq3A_416 = vector.broadcast %eq3A_415 : i32 to vector<16xi32>
            %eq3A_417 = arith.cmpi eq, %iota3A, %eq3A_416 : vector<16xi32>
            %and3A_418 = arith.andi %ge3A_362, %eq3A_417 : vector<16xi1>
            tpu.vector_store_idx %arg7[%get3A_355], %get3A_359 masked %and3A_418 : memref<3136xi32, #tpu.memory_space<vmem>>[vector<16xi32>], vector<16xi32>, vector<16xi1>
            %eq3A_419 = arith.constant 14 : i32
            %eq3A_420 = vector.broadcast %eq3A_419 : i32 to vector<16xi32>
            %eq3A_421 = arith.cmpi eq, %iota3A, %eq3A_420 : vector<16xi32>
            %and3A_422 = arith.andi %ge3A_362, %eq3A_421 : vector<16xi1>
            tpu.vector_store_idx %arg7[%get3A_355], %get3A_359 masked %and3A_422 : memref<3136xi32, #tpu.memory_space<vmem>>[vector<16xi32>], vector<16xi32>, vector<16xi1>
            %eq3A_423 = arith.constant 15 : i32
            %eq3A_424 = vector.broadcast %eq3A_423 : i32 to vector<16xi32>
            %eq3A_425 = arith.cmpi eq, %iota3A, %eq3A_424 : vector<16xi32>
            %and3A_426 = arith.andi %ge3A_362, %eq3A_425 : vector<16xi1>
            tpu.vector_store_idx %arg7[%get3A_355], %get3A_359 masked %and3A_426 : memref<3136xi32, #tpu.memory_space<vmem>>[vector<16xi32>], vector<16xi32>, vector<16xi1>
            %while3A_427 = arith.constant 0 : i32
            scf.yield %while3A_427 : i32
          }
          scf.yield %scan3A_143 : i32
        } else {
          %sub3A_276 = arith.constant 20 : i32
          %sub3A_277 = arith.subi %scan3A_141, %sub3A_276 : i32
          %mul3A_278 = arith.constant 66 : i32
          %mul3A_279 = arith.muli %sub3A_277, %mul3A_278 : i32
          %min3A_280 = arith.constant 196 : i32
          %min3A_281 = arith.minsi %mul3A_279, %min3A_280 : i32
          %add3A_282 = arith.constant 1 : i32
          %add3A_283 = arith.addi %sub3A_277, %add3A_282 : i32
          %mul3A_284 = arith.constant 66 : i32
          %mul3A_285 = arith.muli %add3A_283, %mul3A_284 : i32
          %min3A_286 = arith.constant 196 : i32
          %min3A_287 = arith.minsi %mul3A_285, %min3A_286 : i32
          %while3A_288 = arith.subi %min3A_287, %min3A_281 : i32
          %while3A_289 = arith.addi %min3A_281, %while3A_288 : i32
          %while3A_290 = arith.constant 1 : i32
          %while3A_291 = arith.divsi %while3A_288, %while3A_290 : i32
          %while3A_292 = arith.muli %while3A_291, %while3A_290 : i32
          %while3A_293 = arith.addi %min3A_281, %while3A_292 : i32
          %while3A_294 = arith.constant 1 : i32
          %while3A_295 = scf.for %while3A_298 = %min3A_281 to %while3A_293 step %while3A_294 iter_args(%while3A_299 = %scan3A_143) -> (i32)  : i32 {
            %mul3A_300 = arith.constant 16 : i32
            %mul3A_301 = arith.muli %while3A_298, %mul3A_300 : i32
            %get3A = arith.index_cast %mul3A_301 : i32 to index
            %get3A_302 = tpu.vector_load %arg7[%get3A] {strides = array<i32>} : memref<3136xi32, #tpu.memory_space<vmem>>, vector<16xi32>,
            %ge3A_303 = arith.constant 0 : i32
            %ge3A_304 = vector.broadcast %ge3A_303 : i32 to vector<16xi32>
            %ge3A_305 = arith.cmpi sge, %get3A_302, %ge3A_304 : vector<16xi32>
            %select_n3A_306 = arith.select %ge3A_305, %broadcast_in_dim3A_7, %broadcast_in_dim3A_9 : vector<16xi1>, vector<16xi32>
            %broadcast_in_dim3A_307 = arith.constant true
            %broadcast_in_dim3A_308 = vector.broadcast %broadcast_in_dim3A_307 : i1 to vector<16xi1>
            %masked_cumsum3A = tpu.scan <sum>, %select_n3A_306 masked %broadcast_in_dim3A_308 : vector<16xi32>, vector<16xi1> -> vector<16xi32>
            %sub3A_309 = arith.subi %masked_cumsum3A, %select_n3A_306 : vector<16xi32>
            %add3A_310 = vector.broadcast %while3A_299 : i32 to vector<16xi32>
            %add3A_311 = arith.addi %add3A_310, %sub3A_309 : vector<16xi32>
            tpu.vector_store_idx %arg10[%add3A_311], %get3A_302 masked %ge3A_305 : memref<2176xi32, #tpu.memory_space<vmem>>[vector<16xi32>], vector<16xi32>, vector<16xi1>
            %mul3A_312 = arith.constant 16 : i32
            %mul3A_313 = arith.muli %while3A_298, %mul3A_312 : i32
            %add3A_314 = arith.addi %mul3A_2, %mul3A_313 : i32
            %add3A_315 = vector.broadcast %add3A_314 : i32 to vector<16xi32>
            %add3A_316 = arith.addi %add3A_315, %iota3A : vector<16xi32>
            tpu.vector_store_idx %arg11[%add3A_311], %add3A_316 masked %ge3A_305 : memref<2176xi32, #tpu.memory_space<vmem>>[vector<16xi32>], vector<16xi32>, vector<16xi1>
            %all_reduce_population_count3A = tpu.all_reduce %ge3A_305 {dim = 0 : i64, kind = #tpu.reduction_kind<sum>} : vector<16xi1> -> vector<16xi32>
            %slice3A = vector.extract_strided_slice %all_reduce_population_count3A {offsets = [0], sizes = [1], strides = [1]} : vector<16xi32> to vector<1xi32>
            %squeeze3A = vector.extract %slice3A[0] : i32 from vector<1xi32>
            %add3A_317 = arith.addi %while3A_299, %squeeze3A : i32
            scf.yield %add3A_317 : i32
          }
          %while3A_296 = arith.constant 1 : i32
          %while3A_297 = scf.for %while3A_298 = %while3A_293 to %while3A_289 step %while3A_296 iter_args(%while3A_299 = %while3A_295) -> (i32)  : i32 {
            %mul3A_300 = arith.constant 16 : i32
            %mul3A_301 = arith.muli %while3A_298, %mul3A_300 : i32
            %get3A = arith.index_cast %mul3A_301 : i32 to index
            %get3A_302 = tpu.vector_load %arg7[%get3A] {strides = array<i32>} : memref<3136xi32, #tpu.memory_space<vmem>>, vector<16xi32>,
            %ge3A_303 = arith.constant 0 : i32
            %ge3A_304 = vector.broadcast %ge3A_303 : i32 to vector<16xi32>
            %ge3A_305 = arith.cmpi sge, %get3A_302, %ge3A_304 : vector<16xi32>
            %select_n3A_306 = arith.select %ge3A_305, %broadcast_in_dim3A_7, %broadcast_in_dim3A_9 : vector<16xi1>, vector<16xi32>
            %broadcast_in_dim3A_307 = arith.constant true
            %broadcast_in_dim3A_308 = vector.broadcast %broadcast_in_dim3A_307 : i1 to vector<16xi1>
            %masked_cumsum3A = tpu.scan <sum>, %select_n3A_306 masked %broadcast_in_dim3A_308 : vector<16xi32>, vector<16xi1> -> vector<16xi32>
            %sub3A_309 = arith.subi %masked_cumsum3A, %select_n3A_306 : vector<16xi32>
            %add3A_310 = vector.broadcast %while3A_299 : i32 to vector<16xi32>
            %add3A_311 = arith.addi %add3A_310, %sub3A_309 : vector<16xi32>
            tpu.vector_store_idx %arg10[%add3A_311], %get3A_302 masked %ge3A_305 : memref<2176xi32, #tpu.memory_space<vmem>>[vector<16xi32>], vector<16xi32>, vector<16xi1>
            %mul3A_312 = arith.constant 16 : i32
            %mul3A_313 = arith.muli %while3A_298, %mul3A_312 : i32
            %add3A_314 = arith.addi %mul3A_2, %mul3A_313 : i32
            %add3A_315 = vector.broadcast %add3A_314 : i32 to vector<16xi32>
            %add3A_316 = arith.addi %add3A_315, %iota3A : vector<16xi32>
            tpu.vector_store_idx %arg11[%add3A_311], %add3A_316 masked %ge3A_305 : memref<2176xi32, #tpu.memory_space<vmem>>[vector<16xi32>], vector<16xi32>, vector<16xi1>
            %all_reduce_population_count3A = tpu.all_reduce %ge3A_305 {dim = 0 : i64, kind = #tpu.reduction_kind<sum>} : vector<16xi1> -> vector<16xi32>
            %slice3A = vector.extract_strided_slice %all_reduce_population_count3A {offsets = [0], sizes = [1], strides = [1]} : vector<16xi32> to vector<1xi32>
            %squeeze3A = vector.extract %slice3A[0] : i32 from vector<1xi32>
            %add3A_317 = arith.addi %while3A_299, %squeeze3A : i32
            scf.yield %add3A_317 : i32
          }
          scf.yield %while3A_297 : i32
        }
        scf.yield %scan3A_142, %cond3A_275 : i32, i32
      }
      %add3A_252 = arith.constant 3 : i32
      %add3A_253 = arith.addi %scan3A_141, %add3A_252 : i32
      %ge3A = arith.constant 4 : i32
      %ge3A_254 = arith.cmpi sge, %add3A_253, %ge3A : i32
      %add3A_255 = arith.constant 3 : i32
      %add3A_256 = arith.addi %scan3A_141, %add3A_255 : i32
      %lt3A_257 = arith.constant 23 : i32
      %lt3A_258 = arith.cmpi slt, %add3A_256, %lt3A_257 : i32
      %and3A_259 = arith.andi %ge3A_254, %lt3A_258 : i1
      %convert_element_type3A_260 = arith.extui %and3A_259 : i1 to i32
      %cond3A_261 = arith.constant 0 : i32
      %cond3A_262 = arith.cmpi ne, %convert_element_type3A_260, %cond3A_261 : i32
      scf.if %cond3A_262 {
        %add3A_270 = arith.constant 3 : i32
        %add3A_271 = arith.addi %scan3A_141, %add3A_270 : i32
        %sub3A_272 = arith.constant 4 : i32
        %sub3A_273 = arith.subi %add3A_271, %sub3A_272 : i32
        %jit3A_274 = arith.constant 4 : i32
        %eq3A_275 = arith.constant 0 : i32
        %eq3A_276 = arith.cmpi eq, %jit3A_274, %eq3A_275 : i32
        %jit3A_277 = arith.constant 1 : i32
        %select_n3A_278 = arith.select %eq3A_276, %jit3A_277, %jit3A_274 : i32
        %rem3A_279 = arith.remsi %sub3A_273, %select_n3A_278 : i32
        %ne3A_280 = arith.constant 0 : i32
        %ne3A_281 = arith.cmpi ne, %rem3A_279, %ne3A_280 : i32
        %lt3A_282 = arith.constant 0 : i32
        %lt3A_283 = arith.cmpi slt, %rem3A_279, %lt3A_282 : i32
        %lt3A_284 = arith.constant 0 : i32
        %lt3A_285 = arith.cmpi slt, %select_n3A_278, %lt3A_284 : i32
        %ne3A_286 = arith.xori %lt3A_283, %lt3A_285 : i1
        %and3A_287 = arith.andi %ne3A_286, %ne3A_281 : i1
        %add3A_288 = arith.addi %rem3A_279, %select_n3A_278 : i32
        %select_n3A_289 = arith.select %and3A_287, %add3A_288, %rem3A_279 : i32
        %mul3A_290 = arith.constant 136 : i32
        %mul3A_291 = arith.muli %sub3A_273, %mul3A_290 : i32
        %sub3A_292 = arith.constant 136 : i32
        %sub3A_293 = arith.subi %select_n3A, %sub3A_292 : i32
        %min3A_294 = arith.minsi %mul3A_291, %sub3A_293 : i32
        %add3A_295 = arith.addi %mul3A_2, %min3A_294 : i32
        %jit3A_296 = arith.constant 4 : i32
        %eq3A_297 = arith.constant 0 : i32
        %eq3A_298 = arith.cmpi eq, %jit3A_296, %eq3A_297 : i32
        %jit3A_299 = arith.constant 1 : i32
        %select_n3A_300 = arith.select %eq3A_298, %jit3A_299, %jit3A_296 : i32
        %rem3A_301 = arith.remsi %sub3A_273, %select_n3A_300 : i32
        %ne3A_302 = arith.constant 0 : i32
        %ne3A_303 = arith.cmpi ne, %rem3A_301, %ne3A_302 : i32
        %lt3A_304 = arith.constant 0 : i32
        %lt3A_305 = arith.cmpi slt, %rem3A_301, %lt3A_304 : i32
        %lt3A_306 = arith.constant 0 : i32
        %lt3A_307 = arith.cmpi slt, %select_n3A_300, %lt3A_306 : i32
        %ne3A_308 = arith.xori %lt3A_305, %lt3A_307 : i1
        %and3A_309 = arith.andi %ne3A_308, %ne3A_303 : i1
        %add3A_310 = arith.addi %rem3A_301, %select_n3A_300 : i32
        %select_n3A_311 = arith.select %and3A_309, %add3A_310, %rem3A_301 : i32
        %dma_wait3A_312 = arith.constant 0 : i32
        %dma_wait3A_313 = arith.constant 0 : i32
        %dma_wait3A_314 = tpu.memref_slice %arg13[%select_n3A_289, %dma_wait3A_312, %dma_wait3A_313] : memref<4x136x128xf32, #tpu.memory_space<vmem>> -> memref<1x136x128xf32, #tpu.memory_space<vmem>>
        %dma_wait3A_315 = tpu.memref_squeeze %dma_wait3A_314 : memref<1x136x128xf32, #tpu.memory_space<vmem>> -> memref<136x128xf32, #tpu.memory_space<vmem>>
        %dma_wait3A_316 = arith.constant 0 : i32
        %dma_wait3A_317 = tpu.memref_slice %arg5[%add3A_295, %dma_wait3A_316] : memref<100000x128xf32, #tpu.memory_space<hbm>> -> memref<136x128xf32, #tpu.memory_space<hbm>>
        %dma_wait3A_318 = tpu.memref_slice %arg15[%select_n3A_311] : memref<4x!tpu.dma_semaphore, #tpu.memory_space<semaphore_mem>> -> memref<1x!tpu.dma_semaphore, #tpu.memory_space<semaphore_mem>>
        %dma_wait3A_319 = tpu.memref_squeeze %dma_wait3A_318 : memref<1x!tpu.dma_semaphore, #tpu.memory_space<semaphore_mem>> -> memref<!tpu.dma_semaphore, #tpu.memory_space<semaphore_mem>>
        %dma_wait3A_320 = arith.constant 0 : i32
        %dma_wait3A_321 = tpu.memref_slice %arg5[%add3A_295, %dma_wait3A_320] : memref<100000x128xf32, #tpu.memory_space<hbm>> -> memref<136x128xf32, #tpu.memory_space<hbm>>
        %dma_wait3A_322 = arith.constant 0 : i32
        %dma_wait3A_323 = arith.constant 0 : i32
        %dma_wait3A_324 = tpu.memref_slice %arg13[%select_n3A_289, %dma_wait3A_322, %dma_wait3A_323] : memref<4x136x128xf32, #tpu.memory_space<vmem>> -> memref<1x136x128xf32, #tpu.memory_space<vmem>>
        %dma_wait3A_325 = tpu.memref_squeeze %dma_wait3A_324 : memref<1x136x128xf32, #tpu.memory_space<vmem>> -> memref<136x128xf32, #tpu.memory_space<vmem>>
        tpu.wait_dma2 semaphore(%dma_wait3A_319 : memref<!tpu.dma_semaphore, #tpu.memory_space<semaphore_mem>>) src(%dma_wait3A_325 : memref<136x128xf32, #tpu.memory_space<vmem>>) dst(%dma_wait3A_321 : memref<136x128xf32, #tpu.memory_space<hbm>>)
      } else {
      }
      %add3A_263 = arith.constant 3 : i32
      %add3A_264 = arith.addi %scan3A_141, %add3A_263 : i32
      %lt3A_265 = arith.constant 23 : i32
      %lt3A_266 = arith.cmpi slt, %add3A_264, %lt3A_265 : i32
      %convert_element_type3A_267 = arith.extui %lt3A_266 : i1 to i32
      %cond3A_268 = arith.constant 0 : i32
      %cond3A_269 = arith.cmpi ne, %convert_element_type3A_267, %cond3A_268 : i32
      scf.if %cond3A_269 {
        %add3A_270 = arith.constant 3 : i32
        %add3A_271 = arith.addi %scan3A_141, %add3A_270 : i32
        %mul3A_272 = arith.constant 136 : i32
        %mul3A_273 = arith.muli %add3A_271, %mul3A_272 : i32
        %sub3A_274 = arith.constant 136 : i32
        %sub3A_275 = arith.subi %select_n3A, %sub3A_274 : i32
        %min3A_276 = arith.minsi %mul3A_273, %sub3A_275 : i32
        %add3A_277 = arith.addi %mul3A_2, %min3A_276 : i32
        %jit3A_278 = arith.constant 4 : i32
        %eq3A_279 = arith.constant 0 : i32
        %eq3A_280 = arith.cmpi eq, %jit3A_278, %eq3A_279 : i32
        %jit3A_281 = arith.constant 1 : i32
        %select_n3A_282 = arith.select %eq3A_280, %jit3A_281, %jit3A_278 : i32
        %rem3A_283 = arith.remsi %add3A_271, %select_n3A_282 : i32
        %ne3A_284 = arith.constant 0 : i32
        %ne3A_285 = arith.cmpi ne, %rem3A_283, %ne3A_284 : i32
        %lt3A_286 = arith.constant 0 : i32
        %lt3A_287 = arith.cmpi slt, %rem3A_283, %lt3A_286 : i32
        %lt3A_288 = arith.constant 0 : i32
        %lt3A_289 = arith.cmpi slt, %select_n3A_282, %lt3A_288 : i32
        %ne3A_290 = arith.xori %lt3A_287, %lt3A_289 : i1
        %and3A_291 = arith.andi %ne3A_290, %ne3A_285 : i1
        %add3A_292 = arith.addi %rem3A_283, %select_n3A_282 : i32
        %select_n3A_293 = arith.select %and3A_291, %add3A_292, %rem3A_283 : i32
        %jit3A_294 = arith.constant 4 : i32
        %eq3A_295 = arith.constant 0 : i32
        %eq3A_296 = arith.cmpi eq, %jit3A_294, %eq3A_295 : i32
        %jit3A_297 = arith.constant 1 : i32
        %select_n3A_298 = arith.select %eq3A_296, %jit3A_297, %jit3A_294 : i32
        %rem3A_299 = arith.remsi %add3A_271, %select_n3A_298 : i32
        %ne3A_300 = arith.constant 0 : i32
        %ne3A_301 = arith.cmpi ne, %rem3A_299, %ne3A_300 : i32
        %lt3A_302 = arith.constant 0 : i32
        %lt3A_303 = arith.cmpi slt, %rem3A_299, %lt3A_302 : i32
        %lt3A_304 = arith.constant 0 : i32
        %lt3A_305 = arith.cmpi slt, %select_n3A_298, %lt3A_304 : i32
        %ne3A_306 = arith.xori %lt3A_303, %lt3A_305 : i1
        %and3A_307 = arith.andi %ne3A_306, %ne3A_301 : i1
        %add3A_308 = arith.addi %rem3A_299, %select_n3A_298 : i32
        %select_n3A_309 = arith.select %and3A_307, %add3A_308, %rem3A_299 : i32
        %dma_start3A_310 = arith.constant 0 : i32
        %dma_start3A_311 = arith.constant 0 : i32
        %dma_start3A_312 = tpu.memref_slice %arg13[%select_n3A_293, %dma_start3A_310, %dma_start3A_311] : memref<4x136x128xf32, #tpu.memory_space<vmem>> -> memref<1x136x128xf32, #tpu.memory_space<vmem>>
        %dma_start3A_313 = tpu.memref_squeeze %dma_start3A_312 : memref<1x136x128xf32, #tpu.memory_space<vmem>> -> memref<136x128xf32, #tpu.memory_space<vmem>>
        %dma_start3A_314 = arith.constant 0 : i32
        %dma_start3A_315 = tpu.memref_slice %arg2[%add3A_277, %dma_start3A_314] : memref<100000x128xf32, #tpu.memory_space<hbm>> -> memref<136x128xf32, #tpu.memory_space<hbm>>
        %dma_start3A_316 = tpu.memref_slice %arg14[%select_n3A_309] : memref<4x!tpu.dma_semaphore, #tpu.memory_space<semaphore_mem>> -> memref<1x!tpu.dma_semaphore, #tpu.memory_space<semaphore_mem>>
        %dma_start3A_317 = tpu.memref_squeeze %dma_start3A_316 : memref<1x!tpu.dma_semaphore, #tpu.memory_space<semaphore_mem>> -> memref<!tpu.dma_semaphore, #tpu.memory_space<semaphore_mem>>
        %dma_start3A_318 = arith.constant 0 : i32
        %dma_start3A_319 = arith.constant 0 : i32
        %dma_start3A_320 = tpu.memref_slice %arg13[%select_n3A_293, %dma_start3A_318, %dma_start3A_319] : memref<4x136x128xf32, #tpu.memory_space<vmem>> -> memref<1x136x128xf32, #tpu.memory_space<vmem>>
        %dma_start3A_321 = tpu.memref_squeeze %dma_start3A_320 : memref<1x136x128xf32, #tpu.memory_space<vmem>> -> memref<136x128xf32, #tpu.memory_space<vmem>>
        %dma_start3A_322 = arith.constant 0 : i32
        %dma_start3A_323 = tpu.memref_slice %arg2[%add3A_277, %dma_start3A_322] : memref<100000x128xf32, #tpu.memory_space<hbm>> -> memref<136x128xf32, #tpu.memory_space<hbm>>
        tpu.enqueue_dma source(%dma_start3A_323 : memref<136x128xf32, #tpu.memory_space<hbm>>) target(%dma_start3A_321 : memref<136x128xf32, #tpu.memory_space<vmem>>) target_semaphore(%dma_start3A_317 : memref<!tpu.dma_semaphore, #tpu.memory_space<semaphore_mem>>)
      } else {
      }
      scf.yield %cond3A_251#0, %cond3A_251#1 : i32, i32
    }
    %scan3A_85 = arith.constant 23 : i32
    %scan3A_86 = arith.constant 0 : i32
    %scan3A_87 = arith.constant 0 : i32
    %scan3A_88 = arith.constant 8 : i32
    %scan3A_89 = arith.addi %scan3A_87, %scan3A_88 : i32
    %scan3A_90 = arith.constant 1 : i32
    %scan3A_91 = scf.for %scan3A_141 = %scan3A_87 to %scan3A_89 step %scan3A_90 iter_args(%scan3A_142 = %scan3A_86) -> (i32)  : i32 {
      %mul3A_143 = arith.constant 16 : i32
      %mul3A_144 = arith.muli %scan3A_141, %mul3A_143 : i32
      %add3A_145 = arith.addi %scan3A_84#1, %mul3A_144 : i32
      %swap3A = arith.index_cast %add3A_145 : i32 to index
      %swap3A_146 = tpu.vector_load %arg10[%swap3A] {strides = array<i32>} : memref<2176xi32, #tpu.memory_space<vmem>>, vector<16xi32>,
      tpu.vector_store %arg10[%swap3A], %broadcast_in_dim3A_5 {strides = array<i32>} : memref<2176xi32, #tpu.memory_space<vmem>>, vector<16xi32>,
      %mul3A_147 = arith.constant 16 : i32
      %mul3A_148 = arith.muli %scan3A_141, %mul3A_147 : i32
      %add3A_149 = arith.addi %scan3A_84#1, %mul3A_148 : i32
      %swap3A_150 = arith.index_cast %add3A_149 : i32 to index
      %swap3A_151 = tpu.vector_load %arg11[%swap3A_150] {strides = array<i32>} : memref<2176xi32, #tpu.memory_space<vmem>>, vector<16xi32>,
      tpu.vector_store %arg11[%swap3A_150], %broadcast_in_dim3A_5 {strides = array<i32>} : memref<2176xi32, #tpu.memory_space<vmem>>, vector<16xi32>,
      %scan3A_152 = arith.constant 0 : i32
      scf.yield %scan3A_152 : i32
    }
    %scan3A_92 = arith.constant 8 : i32
    %add3A_93 = arith.constant 128 : i32
    %add3A_94 = arith.addi %scan3A_84#1, %add3A_93 : i32
    %sub3A_95 = arith.constant 1 : i32
    %sub3A_96 = arith.subi %add3A_94, %sub3A_95 : i32
    %jit3A_97 = arith.constant 128 : i32
    %div3A = arith.divsi %sub3A_96, %jit3A_97 : i32
    %sign3A = arith.constant 0 : i32
    %sign3A_98 = arith.cmpi sgt, %sub3A_96, %sign3A : i32
    %sign3A_99 = arith.extui %sign3A_98 : i1 to i32
    %sign3A_100 = arith.constant 0 : i32
    %sign3A_101 = arith.cmpi slt, %sub3A_96, %sign3A_100 : i32
    %sign3A_102 = arith.extui %sign3A_101 : i1 to i32
    %sign3A_103 = arith.subi %sign3A_99, %sign3A_102 : i32
    %sign3A_104 = arith.constant 0 : i32
    %sign3A_105 = arith.cmpi sgt, %jit3A_97, %sign3A_104 : i32
    %sign3A_106 = arith.extui %sign3A_105 : i1 to i32
    %sign3A_107 = arith.constant 0 : i32
    %sign3A_108 = arith.cmpi slt, %jit3A_97, %sign3A_107 : i32
    %sign3A_109 = arith.extui %sign3A_108 : i1 to i32
    %sign3A_110 = arith.subi %sign3A_106, %sign3A_109 : i32
    %ne3A = arith.cmpi ne, %sign3A_103, %sign3A_110 : i32
    %rem3A = arith.remsi %sub3A_96, %jit3A_97 : i32
    %ne3A_111 = arith.constant 0 : i32
    %ne3A_112 = arith.cmpi ne, %rem3A, %ne3A_111 : i32
    %and3A = arith.andi %ne3A, %ne3A_112 : i1
    %sub3A_113 = arith.constant 1 : i32
    %sub3A_114 = arith.subi %div3A, %sub3A_113 : i32
    %select_n3A_115 = arith.select %and3A, %sub3A_114, %div3A : i32
    %gt3A = arith.constant 0 : i32
    %gt3A_116 = arith.cmpi sgt, %select_n3A_115, %gt3A : i32
    %convert_element_type3A = arith.extui %gt3A_116 : i1 to i32
    %cond3A = arith.constant 0 : i32
    %cond3A_117 = arith.cmpi ne, %convert_element_type3A, %cond3A : i32
    scf.if %cond3A_117 {
      %dma_start3A_141 = arith.constant 0 : i32
      %dma_start3A_142 = arith.constant 0 : i32
      %dma_start3A_143 = arith.constant 0 : i32
      %dma_start3A_144 = arith.constant 0 : i32
      %dma_start3A_145 = tpu.memref_slice %arg12[%dma_start3A_141, %dma_start3A_143, %dma_start3A_144] : memref<2x128x128xf32, #tpu.memory_space<vmem>> -> memref<1x128x128xf32, #tpu.memory_space<vmem>>
      %dma_start3A_146 = tpu.memref_squeeze %dma_start3A_145 : memref<1x128x128xf32, #tpu.memory_space<vmem>> -> memref<128x128xf32, #tpu.memory_space<vmem>>
      %dma_start3A_147 = arith.constant 0 : i32
      %dma_start3A_148 = tpu.memref_slice %arg10[%dma_start3A_147] : memref<2176xi32, #tpu.memory_space<vmem>> -> memref<128xi32, #tpu.memory_space<vmem>>
      %dma_start3A_149 = arith.constant 0 : i32
      %dma_start3A_150 = arith.constant 0 : i32
      %dma_start3A_151 = tpu.memref_slice %arg4[%dma_start3A_149, %dma_start3A_150] : memref<16384x128xf32, #tpu.memory_space<hbm>> -> memref<16384x128xf32, #tpu.memory_space<hbm>>
      %dma_start3A_152 = arith.constant -1 : i32
      %dma_start3A_153 = tpu.memref_slice %arg16[%dma_start3A_142] : memref<2x!tpu.dma_semaphore, #tpu.memory_space<semaphore_mem>> -> memref<1x!tpu.dma_semaphore, #tpu.memory_space<semaphore_mem>>
      %dma_start3A_154 = tpu.memref_squeeze %dma_start3A_153 : memref<1x!tpu.dma_semaphore, #tpu.memory_space<semaphore_mem>> -> memref<!tpu.dma_semaphore, #tpu.memory_space<semaphore_mem>>
      tpu.enqueue_indirect_dma source(%dma_start3A_151 : memref<16384x128xf32, #tpu.memory_space<hbm>>) target(%dma_start3A_146 : memref<128x128xf32, #tpu.memory_space<vmem>>) offsets(%dma_start3A_148 : memref<128xi32, #tpu.memory_space<vmem>>) offset_filter(%dma_start3A_152) semaphore(%dma_start3A_154 : memref<!tpu.dma_semaphore, #tpu.memory_space<semaphore_mem>>)
    } else {
    }
    %scan3A_118 = arith.constant 0 : i32
    %scan3A_119 = arith.constant 19 : i32
    %scan3A_120 = arith.constant 4 : i32
    %scan3A_121 = arith.addi %scan3A_119, %scan3A_120 : i32
    %scan3A_122 = arith.constant 1 : i32
    %scan3A_123 = scf.for %scan3A_141 = %scan3A_119 to %scan3A_121 step %scan3A_122 iter_args(%scan3A_142 = %scan3A_118) -> (i32)  : i32 {
      %jit3A_143 = arith.constant 4 : i32
      %eq3A_144 = arith.constant 0 : i32
      %eq3A_145 = arith.cmpi eq, %jit3A_143, %eq3A_144 : i32
      %jit3A_146 = arith.constant 1 : i32
      %select_n3A_147 = arith.select %eq3A_145, %jit3A_146, %jit3A_143 : i32
      %rem3A_148 = arith.remsi %scan3A_141, %select_n3A_147 : i32
      %ne3A_149 = arith.constant 0 : i32
      %ne3A_150 = arith.cmpi ne, %rem3A_148, %ne3A_149 : i32
      %lt3A = arith.constant 0 : i32
      %lt3A_151 = arith.cmpi slt, %rem3A_148, %lt3A : i32
      %lt3A_152 = arith.constant 0 : i32
      %lt3A_153 = arith.cmpi slt, %select_n3A_147, %lt3A_152 : i32
      %ne3A_154 = arith.xori %lt3A_151, %lt3A_153 : i1
      %and3A_155 = arith.andi %ne3A_154, %ne3A_150 : i1
      %add3A_156 = arith.addi %rem3A_148, %select_n3A_147 : i32
      %select_n3A_157 = arith.select %and3A_155, %add3A_156, %rem3A_148 : i32
      %mul3A_158 = arith.constant 136 : i32
      %mul3A_159 = arith.muli %scan3A_141, %mul3A_158 : i32
      %sub3A_160 = arith.constant 136 : i32
      %sub3A_161 = arith.subi %select_n3A, %sub3A_160 : i32
      %min3A_162 = arith.minsi %mul3A_159, %sub3A_161 : i32
      %add3A_163 = arith.addi %mul3A_2, %min3A_162 : i32
      %jit3A_164 = arith.constant 4 : i32
      %eq3A_165 = arith.constant 0 : i32
      %eq3A_166 = arith.cmpi eq, %jit3A_164, %eq3A_165 : i32
      %jit3A_167 = arith.constant 1 : i32
      %select_n3A_168 = arith.select %eq3A_166, %jit3A_167, %jit3A_164 : i32
      %rem3A_169 = arith.remsi %scan3A_141, %select_n3A_168 : i32
      %ne3A_170 = arith.constant 0 : i32
      %ne3A_171 = arith.cmpi ne, %rem3A_169, %ne3A_170 : i32
      %lt3A_172 = arith.constant 0 : i32
      %lt3A_173 = arith.cmpi slt, %rem3A_169, %lt3A_172 : i32
      %lt3A_174 = arith.constant 0 : i32
      %lt3A_175 = arith.cmpi slt, %select_n3A_168, %lt3A_174 : i32
      %ne3A_176 = arith.xori %lt3A_173, %lt3A_175 : i1
      %and3A_177 = arith.andi %ne3A_176, %ne3A_171 : i1
      %add3A_178 = arith.addi %rem3A_169, %select_n3A_168 : i32
      %select_n3A_179 = arith.select %and3A_177, %add3A_178, %rem3A_169 : i32
      %dma_wait3A = arith.constant 0 : i32
      %dma_wait3A_180 = arith.constant 0 : i32
      %dma_wait3A_181 = tpu.memref_slice %arg13[%select_n3A_157, %dma_wait3A, %dma_wait3A_180] : memref<4x136x128xf32, #tpu.memory_space<vmem>> -> memref<1x136x128xf32, #tpu.memory_space<vmem>>
      %dma_wait3A_182 = tpu.memref_squeeze %dma_wait3A_181 : memref<1x136x128xf32, #tpu.memory_space<vmem>> -> memref<136x128xf32, #tpu.memory_space<vmem>>
      %dma_wait3A_183 = arith.constant 0 : i32
      %dma_wait3A_184 = tpu.memref_slice %arg5[%add3A_163, %dma_wait3A_183] : memref<100000x128xf32, #tpu.memory_space<hbm>> -> memref<136x128xf32, #tpu.memory_space<hbm>>
      %dma_wait3A_185 = tpu.memref_slice %arg15[%select_n3A_179] : memref<4x!tpu.dma_semaphore, #tpu.memory_space<semaphore_mem>> -> memref<1x!tpu.dma_semaphore, #tpu.memory_space<semaphore_mem>>
      %dma_wait3A_186 = tpu.memref_squeeze %dma_wait3A_185 : memref<1x!tpu.dma_semaphore, #tpu.memory_space<semaphore_mem>> -> memref<!tpu.dma_semaphore, #tpu.memory_space<semaphore_mem>>
      %dma_wait3A_187 = arith.constant 0 : i32
      %dma_wait3A_188 = tpu.memref_slice %arg5[%add3A_163, %dma_wait3A_187] : memref<100000x128xf32, #tpu.memory_space<hbm>> -> memref<136x128xf32, #tpu.memory_space<hbm>>
      %dma_wait3A_189 = arith.constant 0 : i32
      %dma_wait3A_190 = arith.constant 0 : i32
      %dma_wait3A_191 = tpu.memref_slice %arg13[%select_n3A_157, %dma_wait3A_189, %dma_wait3A_190] : memref<4x136x128xf32, #tpu.memory_space<vmem>> -> memref<1x136x128xf32, #tpu.memory_space<vmem>>
      %dma_wait3A_192 = tpu.memref_squeeze %dma_wait3A_191 : memref<1x136x128xf32, #tpu.memory_space<vmem>> -> memref<136x128xf32, #tpu.memory_space<vmem>>
      tpu.wait_dma2 semaphore(%dma_wait3A_186 : memref<!tpu.dma_semaphore, #tpu.memory_space<semaphore_mem>>) src(%dma_wait3A_192 : memref<136x128xf32, #tpu.memory_space<vmem>>) dst(%dma_wait3A_188 : memref<136x128xf32, #tpu.memory_space<hbm>>)
      %scan3A_193 = arith.constant 0 : i32
      scf.yield %scan3A_193 : i32
    }
    %scan3A_124 = arith.constant 4 : i32
    %while3A = arith.constant 0 : i32
    %while3A_125 = arith.constant 0 : i32
    %while3A_126 = arith.subi %select_n3A_115, %while3A : i32
    %while3A_127 = arith.addi %while3A, %while3A_126 : i32
    %while3A_128 = arith.constant 1 : i32
    %while3A_129 = arith.divsi %while3A_126, %while3A_128 : i32
    %while3A_130 = arith.muli %while3A_129, %while3A_128 : i32
    %while3A_131 = arith.addi %while3A, %while3A_130 : i32
    %while3A_132 = arith.constant 1 : i32
    %while3A_133 = scf.for %while3A_141 = %while3A to %while3A_131 step %while3A_132 iter_args(%while3A_142 = %while3A_125) -> (i32)  : i32 {
      %jit3A_143 = arith.constant 2 : i32
      %eq3A_144 = arith.constant 0 : i32
      %eq3A_145 = arith.cmpi eq, %jit3A_143, %eq3A_144 : i32
      %jit3A_146 = arith.constant 1 : i32
      %select_n3A_147 = arith.select %eq3A_145, %jit3A_146, %jit3A_143 : i32
      %rem3A_148 = arith.remsi %while3A_141, %select_n3A_147 : i32
      %ne3A_149 = arith.constant 0 : i32
      %ne3A_150 = arith.cmpi ne, %rem3A_148, %ne3A_149 : i32
      %lt3A = arith.constant 0 : i32
      %lt3A_151 = arith.cmpi slt, %rem3A_148, %lt3A : i32
      %lt3A_152 = arith.constant 0 : i32
      %lt3A_153 = arith.cmpi slt, %select_n3A_147, %lt3A_152 : i32
      %ne3A_154 = arith.xori %lt3A_151, %lt3A_153 : i1
      %and3A_155 = arith.andi %ne3A_154, %ne3A_150 : i1
      %add3A_156 = arith.addi %rem3A_148, %select_n3A_147 : i32
      %select_n3A_157 = arith.select %and3A_155, %add3A_156, %rem3A_148 : i32
      %mul3A_158 = arith.constant 128 : i32
      %mul3A_159 = arith.muli %while3A_141, %mul3A_158 : i32
      %dma_wait3A = arith.constant 0 : i32
      %dma_wait3A_160 = arith.constant 0 : i32
      %dma_wait3A_161 = tpu.memref_slice %arg12[%select_n3A_157, %dma_wait3A, %dma_wait3A_160] : memref<2x128x128xf32, #tpu.memory_space<vmem>> -> memref<1x128x128xf32, #tpu.memory_space<vmem>>
      %dma_wait3A_162 = tpu.memref_squeeze %dma_wait3A_161 : memref<1x128x128xf32, #tpu.memory_space<vmem>> -> memref<128x128xf32, #tpu.memory_space<vmem>>
      %dma_wait3A_163 = tpu.memref_slice %arg10[%mul3A_159] : memref<2176xi32, #tpu.memory_space<vmem>> -> memref<128xi32, #tpu.memory_space<vmem>>
      %dma_wait3A_164 = arith.constant 0 : i32
      %dma_wait3A_165 = arith.constant 0 : i32
      %dma_wait3A_166 = tpu.memref_slice %arg4[%dma_wait3A_164, %dma_wait3A_165] : memref<16384x128xf32, #tpu.memory_space<hbm>> -> memref<16384x128xf32, #tpu.memory_space<hbm>>
      %dma_wait3A_167 = tpu.memref_slice %arg16[%select_n3A_157] : memref<2x!tpu.dma_semaphore, #tpu.memory_space<semaphore_mem>> -> memref<1x!tpu.dma_semaphore, #tpu.memory_space<semaphore_mem>>
      %dma_wait3A_168 = tpu.memref_squeeze %dma_wait3A_167 : memref<1x!tpu.dma_semaphore, #tpu.memory_space<semaphore_mem>> -> memref<!tpu.dma_semaphore, #tpu.memory_space<semaphore_mem>>
      tpu.wait_indirect_dma semaphore(%dma_wait3A_168 : memref<!tpu.dma_semaphore, #tpu.memory_space<semaphore_mem>>) src(%dma_wait3A_166 : memref<16384x128xf32, #tpu.memory_space<hbm>>) dst(%dma_wait3A_162 : memref<128x128xf32, #tpu.memory_space<vmem>>)
      %jit3A_169 = arith.constant 2 : i32
      %eq3A_170 = arith.constant 0 : i32
      %eq3A_171 = arith.cmpi eq, %jit3A_169, %eq3A_170 : i32
      %jit3A_172 = arith.constant 1 : i32
      %select_n3A_173 = arith.select %eq3A_171, %jit3A_172, %jit3A_169 : i32
      %rem3A_174 = arith.remsi %while3A_141, %select_n3A_173 : i32
      %ne3A_175 = arith.constant 0 : i32
      %ne3A_176 = arith.cmpi ne, %rem3A_174, %ne3A_175 : i32
      %lt3A_177 = arith.constant 0 : i32
      %lt3A_178 = arith.cmpi slt, %rem3A_174, %lt3A_177 : i32
      %lt3A_179 = arith.constant 0 : i32
      %lt3A_180 = arith.cmpi slt, %select_n3A_173, %lt3A_179 : i32
      %ne3A_181 = arith.xori %lt3A_178, %lt3A_180 : i1
      %and3A_182 = arith.andi %ne3A_181, %ne3A_176 : i1
      %add3A_183 = arith.addi %rem3A_174, %select_n3A_173 : i32
      %select_n3A_184 = arith.select %and3A_182, %add3A_183, %rem3A_174 : i32
      %mul3A_185 = arith.constant 128 : i32
      %mul3A_186 = arith.muli %while3A_141, %mul3A_185 : i32
      %dma_start3A_187 = arith.constant 0 : i32
      %dma_start3A_188 = arith.constant 0 : i32
      %dma_start3A_189 = tpu.memref_slice %arg12[%select_n3A_184, %dma_start3A_187, %dma_start3A_188] : memref<2x128x128xf32, #tpu.memory_space<vmem>> -> memref<1x128x128xf32, #tpu.memory_space<vmem>>
      %dma_start3A_190 = tpu.memref_squeeze %dma_start3A_189 : memref<1x128x128xf32, #tpu.memory_space<vmem>> -> memref<128x128xf32, #tpu.memory_space<vmem>>
      %dma_start3A_191 = tpu.memref_slice %arg11[%mul3A_186] : memref<2176xi32, #tpu.memory_space<vmem>> -> memref<128xi32, #tpu.memory_space<vmem>>
      %dma_start3A_192 = arith.constant 0 : i32
      %dma_start3A_193 = arith.constant 0 : i32
      %dma_start3A_194 = tpu.memref_slice %arg5[%dma_start3A_192, %dma_start3A_193] : memref<100000x128xf32, #tpu.memory_space<hbm>> -> memref<100000x128xf32, #tpu.memory_space<hbm>>
      %dma_start3A_195 = arith.constant -1 : i32
      %dma_start3A_196 = tpu.memref_slice %arg17[%select_n3A_184] : memref<2x!tpu.dma_semaphore, #tpu.memory_space<semaphore_mem>> -> memref<1x!tpu.dma_semaphore, #tpu.memory_space<semaphore_mem>>
      %dma_start3A_197 = tpu.memref_squeeze %dma_start3A_196 : memref<1x!tpu.dma_semaphore, #tpu.memory_space<semaphore_mem>> -> memref<!tpu.dma_semaphore, #tpu.memory_space<semaphore_mem>>
      tpu.enqueue_indirect_dma source(%dma_start3A_190 : memref<128x128xf32, #tpu.memory_space<vmem>>) target(%dma_start3A_194 : memref<100000x128xf32, #tpu.memory_space<hbm>>) offsets(%dma_start3A_191 : memref<128xi32, #tpu.memory_space<vmem>>) offset_filter(%dma_start3A_195) semaphore(%dma_start3A_197 : memref<!tpu.dma_semaphore, #tpu.memory_space<semaphore_mem>>)
      %gt3A_198 = arith.constant 0 : i32
      %gt3A_199 = arith.cmpi sgt, %while3A_141, %gt3A_198 : i32
      %convert_element_type3A_200 = arith.extui %gt3A_199 : i1 to i32
      %cond3A_201 = arith.constant 0 : i32
      %cond3A_202 = arith.cmpi ne, %convert_element_type3A_200, %cond3A_201 : i32
      scf.if %cond3A_202 {
        %sub3A_210 = arith.constant 1 : i32
        %sub3A_211 = arith.subi %while3A_141, %sub3A_210 : i32
        %jit3A_212 = arith.constant 2 : i32
        %eq3A_213 = arith.constant 0 : i32
        %eq3A_214 = arith.cmpi eq, %jit3A_212, %eq3A_213 : i32
        %jit3A_215 = arith.constant 1 : i32
        %select_n3A_216 = arith.select %eq3A_214, %jit3A_215, %jit3A_212 : i32
        %rem3A_217 = arith.remsi %sub3A_211, %select_n3A_216 : i32
        %ne3A_218 = arith.constant 0 : i32
        %ne3A_219 = arith.cmpi ne, %rem3A_217, %ne3A_218 : i32
        %lt3A_220 = arith.constant 0 : i32
        %lt3A_221 = arith.cmpi slt, %rem3A_217, %lt3A_220 : i32
        %lt3A_222 = arith.constant 0 : i32
        %lt3A_223 = arith.cmpi slt, %select_n3A_216, %lt3A_222 : i32
        %ne3A_224 = arith.xori %lt3A_221, %lt3A_223 : i1
        %and3A_225 = arith.andi %ne3A_224, %ne3A_219 : i1
        %add3A_226 = arith.addi %rem3A_217, %select_n3A_216 : i32
        %select_n3A_227 = arith.select %and3A_225, %add3A_226, %rem3A_217 : i32
        %mul3A_228 = arith.constant 128 : i32
        %mul3A_229 = arith.muli %sub3A_211, %mul3A_228 : i32
        %dma_wait3A_230 = arith.constant 0 : i32
        %dma_wait3A_231 = arith.constant 0 : i32
        %dma_wait3A_232 = tpu.memref_slice %arg12[%select_n3A_227, %dma_wait3A_230, %dma_wait3A_231] : memref<2x128x128xf32, #tpu.memory_space<vmem>> -> memref<1x128x128xf32, #tpu.memory_space<vmem>>
        %dma_wait3A_233 = tpu.memref_squeeze %dma_wait3A_232 : memref<1x128x128xf32, #tpu.memory_space<vmem>> -> memref<128x128xf32, #tpu.memory_space<vmem>>
        %dma_wait3A_234 = tpu.memref_slice %arg11[%mul3A_229] : memref<2176xi32, #tpu.memory_space<vmem>> -> memref<128xi32, #tpu.memory_space<vmem>>
        %dma_wait3A_235 = arith.constant 0 : i32
        %dma_wait3A_236 = arith.constant 0 : i32
        %dma_wait3A_237 = tpu.memref_slice %arg5[%dma_wait3A_235, %dma_wait3A_236] : memref<100000x128xf32, #tpu.memory_space<hbm>> -> memref<100000x128xf32, #tpu.memory_space<hbm>>
        %dma_wait3A_238 = tpu.memref_slice %arg17[%select_n3A_227] : memref<2x!tpu.dma_semaphore, #tpu.memory_space<semaphore_mem>> -> memref<1x!tpu.dma_semaphore, #tpu.memory_space<semaphore_mem>>
        %dma_wait3A_239 = tpu.memref_squeeze %dma_wait3A_238 : memref<1x!tpu.dma_semaphore, #tpu.memory_space<semaphore_mem>> -> memref<!tpu.dma_semaphore, #tpu.memory_space<semaphore_mem>>
        tpu.wait_indirect_dma semaphore(%dma_wait3A_239 : memref<!tpu.dma_semaphore, #tpu.memory_space<semaphore_mem>>) src(%dma_wait3A_233 : memref<128x128xf32, #tpu.memory_space<vmem>>) dst(%dma_wait3A_237 : memref<100000x128xf32, #tpu.memory_space<hbm>>)
      } else {
      }
      %add3A_203 = arith.constant 1 : i32
      %add3A_204 = arith.addi %while3A_141, %add3A_203 : i32
      %lt3A_205 = arith.cmpi slt, %add3A_204, %select_n3A_115 : i32
      %convert_element_type3A_206 = arith.extui %lt3A_205 : i1 to i32
      %cond3A_207 = arith.constant 0 : i32
      %cond3A_208 = arith.cmpi ne, %convert_element_type3A_206, %cond3A_207 : i32
      scf.if %cond3A_208 {
        %add3A_210 = arith.constant 1 : i32
        %add3A_211 = arith.addi %while3A_141, %add3A_210 : i32
        %jit3A_212 = arith.constant 2 : i32
        %eq3A_213 = arith.constant 0 : i32
        %eq3A_214 = arith.cmpi eq, %jit3A_212, %eq3A_213 : i32
        %jit3A_215 = arith.constant 1 : i32
        %select_n3A_216 = arith.select %eq3A_214, %jit3A_215, %jit3A_212 : i32
        %rem3A_217 = arith.remsi %add3A_211, %select_n3A_216 : i32
        %ne3A_218 = arith.constant 0 : i32
        %ne3A_219 = arith.cmpi ne, %rem3A_217, %ne3A_218 : i32
        %lt3A_220 = arith.constant 0 : i32
        %lt3A_221 = arith.cmpi slt, %rem3A_217, %lt3A_220 : i32
        %lt3A_222 = arith.constant 0 : i32
        %lt3A_223 = arith.cmpi slt, %select_n3A_216, %lt3A_222 : i32
        %ne3A_224 = arith.xori %lt3A_221, %lt3A_223 : i1
        %and3A_225 = arith.andi %ne3A_224, %ne3A_219 : i1
        %add3A_226 = arith.addi %rem3A_217, %select_n3A_216 : i32
        %select_n3A_227 = arith.select %and3A_225, %add3A_226, %rem3A_217 : i32
        %mul3A_228 = arith.constant 128 : i32
        %mul3A_229 = arith.muli %add3A_211, %mul3A_228 : i32
        %dma_start3A_230 = arith.constant 0 : i32
        %dma_start3A_231 = arith.constant 0 : i32
        %dma_start3A_232 = tpu.memref_slice %arg12[%select_n3A_227, %dma_start3A_230, %dma_start3A_231] : memref<2x128x128xf32, #tpu.memory_space<vmem>> -> memref<1x128x128xf32, #tpu.memory_space<vmem>>
        %dma_start3A_233 = tpu.memref_squeeze %dma_start3A_232 : memref<1x128x128xf32, #tpu.memory_space<vmem>> -> memref<128x128xf32, #tpu.memory_space<vmem>>
        %dma_start3A_234 = tpu.memref_slice %arg10[%mul3A_229] : memref<2176xi32, #tpu.memory_space<vmem>> -> memref<128xi32, #tpu.memory_space<vmem>>
        %dma_start3A_235 = arith.constant 0 : i32
        %dma_start3A_236 = arith.constant 0 : i32
        %dma_start3A_237 = tpu.memref_slice %arg4[%dma_start3A_235, %dma_start3A_236] : memref<16384x128xf32, #tpu.memory_space<hbm>> -> memref<16384x128xf32, #tpu.memory_space<hbm>>
        %dma_start3A_238 = arith.constant -1 : i32
        %dma_start3A_239 = tpu.memref_slice %arg16[%select_n3A_227] : memref<2x!tpu.dma_semaphore, #tpu.memory_space<semaphore_mem>> -> memref<1x!tpu.dma_semaphore, #tpu.memory_space<semaphore_mem>>
        %dma_start3A_240 = tpu.memref_squeeze %dma_start3A_239 : memref<1x!tpu.dma_semaphore, #tpu.memory_space<semaphore_mem>> -> memref<!tpu.dma_semaphore, #tpu.memory_space<semaphore_mem>>
        tpu.enqueue_indirect_dma source(%dma_start3A_237 : memref<16384x128xf32, #tpu.memory_space<hbm>>) target(%dma_start3A_233 : memref<128x128xf32, #tpu.memory_space<vmem>>) offsets(%dma_start3A_234 : memref<128xi32, #tpu.memory_space<vmem>>) offset_filter(%dma_start3A_238) semaphore(%dma_start3A_240 : memref<!tpu.dma_semaphore, #tpu.memory_space<semaphore_mem>>)
      } else {
      }
      %while3A_209 = arith.constant 0 : i32
      scf.yield %while3A_209 : i32
    }
    %while3A_134 = arith.constant 1 : i32
    %while3A_135 = scf.for %while3A_141 = %while3A_131 to %while3A_127 step %while3A_134 iter_args(%while3A_142 = %while3A_133) -> (i32)  : i32 {
      %jit3A_143 = arith.constant 2 : i32
      %eq3A_144 = arith.constant 0 : i32
      %eq3A_145 = arith.cmpi eq, %jit3A_143, %eq3A_144 : i32
      %jit3A_146 = arith.constant 1 : i32
      %select_n3A_147 = arith.select %eq3A_145, %jit3A_146, %jit3A_143 : i32
      %rem3A_148 = arith.remsi %while3A_141, %select_n3A_147 : i32
      %ne3A_149 = arith.constant 0 : i32
      %ne3A_150 = arith.cmpi ne, %rem3A_148, %ne3A_149 : i32
      %lt3A = arith.constant 0 : i32
      %lt3A_151 = arith.cmpi slt, %rem3A_148, %lt3A : i32
      %lt3A_152 = arith.constant 0 : i32
      %lt3A_153 = arith.cmpi slt, %select_n3A_147, %lt3A_152 : i32
      %ne3A_154 = arith.xori %lt3A_151, %lt3A_153 : i1
      %and3A_155 = arith.andi %ne3A_154, %ne3A_150 : i1
      %add3A_156 = arith.addi %rem3A_148, %select_n3A_147 : i32
      %select_n3A_157 = arith.select %and3A_155, %add3A_156, %rem3A_148 : i32
      %mul3A_158 = arith.constant 128 : i32
      %mul3A_159 = arith.muli %while3A_141, %mul3A_158 : i32
      %dma_wait3A = arith.constant 0 : i32
      %dma_wait3A_160 = arith.constant 0 : i32
      %dma_wait3A_161 = tpu.memref_slice %arg12[%select_n3A_157, %dma_wait3A, %dma_wait3A_160] : memref<2x128x128xf32, #tpu.memory_space<vmem>> -> memref<1x128x128xf32, #tpu.memory_space<vmem>>
      %dma_wait3A_162 = tpu.memref_squeeze %dma_wait3A_161 : memref<1x128x128xf32, #tpu.memory_space<vmem>> -> memref<128x128xf32, #tpu.memory_space<vmem>>
      %dma_wait3A_163 = tpu.memref_slice %arg10[%mul3A_159] : memref<2176xi32, #tpu.memory_space<vmem>> -> memref<128xi32, #tpu.memory_space<vmem>>
      %dma_wait3A_164 = arith.constant 0 : i32
      %dma_wait3A_165 = arith.constant 0 : i32
      %dma_wait3A_166 = tpu.memref_slice %arg4[%dma_wait3A_164, %dma_wait3A_165] : memref<16384x128xf32, #tpu.memory_space<hbm>> -> memref<16384x128xf32, #tpu.memory_space<hbm>>
      %dma_wait3A_167 = tpu.memref_slice %arg16[%select_n3A_157] : memref<2x!tpu.dma_semaphore, #tpu.memory_space<semaphore_mem>> -> memref<1x!tpu.dma_semaphore, #tpu.memory_space<semaphore_mem>>
      %dma_wait3A_168 = tpu.memref_squeeze %dma_wait3A_167 : memref<1x!tpu.dma_semaphore, #tpu.memory_space<semaphore_mem>> -> memref<!tpu.dma_semaphore, #tpu.memory_space<semaphore_mem>>
      tpu.wait_indirect_dma semaphore(%dma_wait3A_168 : memref<!tpu.dma_semaphore, #tpu.memory_space<semaphore_mem>>) src(%dma_wait3A_166 : memref<16384x128xf32, #tpu.memory_space<hbm>>) dst(%dma_wait3A_162 : memref<128x128xf32, #tpu.memory_space<vmem>>)
      %jit3A_169 = arith.constant 2 : i32
      %eq3A_170 = arith.constant 0 : i32
      %eq3A_171 = arith.cmpi eq, %jit3A_169, %eq3A_170 : i32
      %jit3A_172 = arith.constant 1 : i32
      %select_n3A_173 = arith.select %eq3A_171, %jit3A_172, %jit3A_169 : i32
      %rem3A_174 = arith.remsi %while3A_141, %select_n3A_173 : i32
      %ne3A_175 = arith.constant 0 : i32
      %ne3A_176 = arith.cmpi ne, %rem3A_174, %ne3A_175 : i32
      %lt3A_177 = arith.constant 0 : i32
      %lt3A_178 = arith.cmpi slt, %rem3A_174, %lt3A_177 : i32
      %lt3A_179 = arith.constant 0 : i32
      %lt3A_180 = arith.cmpi slt, %select_n3A_173, %lt3A_179 : i32
      %ne3A_181 = arith.xori %lt3A_178, %lt3A_180 : i1
      %and3A_182 = arith.andi %ne3A_181, %ne3A_176 : i1
      %add3A_183 = arith.addi %rem3A_174, %select_n3A_173 : i32
      %select_n3A_184 = arith.select %and3A_182, %add3A_183, %rem3A_174 : i32
      %mul3A_185 = arith.constant 128 : i32
      %mul3A_186 = arith.muli %while3A_141, %mul3A_185 : i32
      %dma_start3A_187 = arith.constant 0 : i32
      %dma_start3A_188 = arith.constant 0 : i32
      %dma_start3A_189 = tpu.memref_slice %arg12[%select_n3A_184, %dma_start3A_187, %dma_start3A_188] : memref<2x128x128xf32, #tpu.memory_space<vmem>> -> memref<1x128x128xf32, #tpu.memory_space<vmem>>
      %dma_start3A_190 = tpu.memref_squeeze %dma_start3A_189 : memref<1x128x128xf32, #tpu.memory_space<vmem>> -> memref<128x128xf32, #tpu.memory_space<vmem>>
      %dma_start3A_191 = tpu.memref_slice %arg11[%mul3A_186] : memref<2176xi32, #tpu.memory_space<vmem>> -> memref<128xi32, #tpu.memory_space<vmem>>
      %dma_start3A_192 = arith.constant 0 : i32
      %dma_start3A_193 = arith.constant 0 : i32
      %dma_start3A_194 = tpu.memref_slice %arg5[%dma_start3A_192, %dma_start3A_193] : memref<100000x128xf32, #tpu.memory_space<hbm>> -> memref<100000x128xf32, #tpu.memory_space<hbm>>
      %dma_start3A_195 = arith.constant -1 : i32
      %dma_start3A_196 = tpu.memref_slice %arg17[%select_n3A_184] : memref<2x!tpu.dma_semaphore, #tpu.memory_space<semaphore_mem>> -> memref<1x!tpu.dma_semaphore, #tpu.memory_space<semaphore_mem>>
      %dma_start3A_197 = tpu.memref_squeeze %dma_start3A_196 : memref<1x!tpu.dma_semaphore, #tpu.memory_space<semaphore_mem>> -> memref<!tpu.dma_semaphore, #tpu.memory_space<semaphore_mem>>
      tpu.enqueue_indirect_dma source(%dma_start3A_190 : memref<128x128xf32, #tpu.memory_space<vmem>>) target(%dma_start3A_194 : memref<100000x128xf32, #tpu.memory_space<hbm>>) offsets(%dma_start3A_191 : memref<128xi32, #tpu.memory_space<vmem>>) offset_filter(%dma_start3A_195) semaphore(%dma_start3A_197 : memref<!tpu.dma_semaphore, #tpu.memory_space<semaphore_mem>>)
      %gt3A_198 = arith.constant 0 : i32
      %gt3A_199 = arith.cmpi sgt, %while3A_141, %gt3A_198 : i32
      %convert_element_type3A_200 = arith.extui %gt3A_199 : i1 to i32
      %cond3A_201 = arith.constant 0 : i32
      %cond3A_202 = arith.cmpi ne, %convert_element_type3A_200, %cond3A_201 : i32
      scf.if %cond3A_202 {
        %sub3A_210 = arith.constant 1 : i32
        %sub3A_211 = arith.subi %while3A_141, %sub3A_210 : i32
        %jit3A_212 = arith.constant 2 : i32
        %eq3A_213 = arith.constant 0 : i32
        %eq3A_214 = arith.cmpi eq, %jit3A_212, %eq3A_213 : i32
        %jit3A_215 = arith.constant 1 : i32
        %select_n3A_216 = arith.select %eq3A_214, %jit3A_215, %jit3A_212 : i32
        %rem3A_217 = arith.remsi %sub3A_211, %select_n3A_216 : i32
        %ne3A_218 = arith.constant 0 : i32
        %ne3A_219 = arith.cmpi ne, %rem3A_217, %ne3A_218 : i32
        %lt3A_220 = arith.constant 0 : i32
        %lt3A_221 = arith.cmpi slt, %rem3A_217, %lt3A_220 : i32
        %lt3A_222 = arith.constant 0 : i32
        %lt3A_223 = arith.cmpi slt, %select_n3A_216, %lt3A_222 : i32
        %ne3A_224 = arith.xori %lt3A_221, %lt3A_223 : i1
        %and3A_225 = arith.andi %ne3A_224, %ne3A_219 : i1
        %add3A_226 = arith.addi %rem3A_217, %select_n3A_216 : i32
        %select_n3A_227 = arith.select %and3A_225, %add3A_226, %rem3A_217 : i32
        %mul3A_228 = arith.constant 128 : i32
        %mul3A_229 = arith.muli %sub3A_211, %mul3A_228 : i32
        %dma_wait3A_230 = arith.constant 0 : i32
        %dma_wait3A_231 = arith.constant 0 : i32
        %dma_wait3A_232 = tpu.memref_slice %arg12[%select_n3A_227, %dma_wait3A_230, %dma_wait3A_231] : memref<2x128x128xf32, #tpu.memory_space<vmem>> -> memref<1x128x128xf32, #tpu.memory_space<vmem>>
        %dma_wait3A_233 = tpu.memref_squeeze %dma_wait3A_232 : memref<1x128x128xf32, #tpu.memory_space<vmem>> -> memref<128x128xf32, #tpu.memory_space<vmem>>
        %dma_wait3A_234 = tpu.memref_slice %arg11[%mul3A_229] : memref<2176xi32, #tpu.memory_space<vmem>> -> memref<128xi32, #tpu.memory_space<vmem>>
        %dma_wait3A_235 = arith.constant 0 : i32
        %dma_wait3A_236 = arith.constant 0 : i32
        %dma_wait3A_237 = tpu.memref_slice %arg5[%dma_wait3A_235, %dma_wait3A_236] : memref<100000x128xf32, #tpu.memory_space<hbm>> -> memref<100000x128xf32, #tpu.memory_space<hbm>>
        %dma_wait3A_238 = tpu.memref_slice %arg17[%select_n3A_227] : memref<2x!tpu.dma_semaphore, #tpu.memory_space<semaphore_mem>> -> memref<1x!tpu.dma_semaphore, #tpu.memory_space<semaphore_mem>>
        %dma_wait3A_239 = tpu.memref_squeeze %dma_wait3A_238 : memref<1x!tpu.dma_semaphore, #tpu.memory_space<semaphore_mem>> -> memref<!tpu.dma_semaphore, #tpu.memory_space<semaphore_mem>>
        tpu.wait_indirect_dma semaphore(%dma_wait3A_239 : memref<!tpu.dma_semaphore, #tpu.memory_space<semaphore_mem>>) src(%dma_wait3A_233 : memref<128x128xf32, #tpu.memory_space<vmem>>) dst(%dma_wait3A_237 : memref<100000x128xf32, #tpu.memory_space<hbm>>)
      } else {
      }
      %add3A_203 = arith.constant 1 : i32
      %add3A_204 = arith.addi %while3A_141, %add3A_203 : i32
      %lt3A_205 = arith.cmpi slt, %add3A_204, %select_n3A_115 : i32
      %convert_element_type3A_206 = arith.extui %lt3A_205 : i1 to i32
      %cond3A_207 = arith.constant 0 : i32
      %cond3A_208 = arith.cmpi ne, %convert_element_type3A_206, %cond3A_207 : i32
      scf.if %cond3A_208 {
        %add3A_210 = arith.constant 1 : i32
        %add3A_211 = arith.addi %while3A_141, %add3A_210 : i32
        %jit3A_212 = arith.constant 2 : i32
        %eq3A_213 = arith.constant 0 : i32
        %eq3A_214 = arith.cmpi eq, %jit3A_212, %eq3A_213 : i32
        %jit3A_215 = arith.constant 1 : i32
        %select_n3A_216 = arith.select %eq3A_214, %jit3A_215, %jit3A_212 : i32
        %rem3A_217 = arith.remsi %add3A_211, %select_n3A_216 : i32
        %ne3A_218 = arith.constant 0 : i32
        %ne3A_219 = arith.cmpi ne, %rem3A_217, %ne3A_218 : i32
        %lt3A_220 = arith.constant 0 : i32
        %lt3A_221 = arith.cmpi slt, %rem3A_217, %lt3A_220 : i32
        %lt3A_222 = arith.constant 0 : i32
        %lt3A_223 = arith.cmpi slt, %select_n3A_216, %lt3A_222 : i32
        %ne3A_224 = arith.xori %lt3A_221, %lt3A_223 : i1
        %and3A_225 = arith.andi %ne3A_224, %ne3A_219 : i1
        %add3A_226 = arith.addi %rem3A_217, %select_n3A_216 : i32
        %select_n3A_227 = arith.select %and3A_225, %add3A_226, %rem3A_217 : i32
        %mul3A_228 = arith.constant 128 : i32
        %mul3A_229 = arith.muli %add3A_211, %mul3A_228 : i32
        %dma_start3A_230 = arith.constant 0 : i32
        %dma_start3A_231 = arith.constant 0 : i32
        %dma_start3A_232 = tpu.memref_slice %arg12[%select_n3A_227, %dma_start3A_230, %dma_start3A_231] : memref<2x128x128xf32, #tpu.memory_space<vmem>> -> memref<1x128x128xf32, #tpu.memory_space<vmem>>
        %dma_start3A_233 = tpu.memref_squeeze %dma_start3A_232 : memref<1x128x128xf32, #tpu.memory_space<vmem>> -> memref<128x128xf32, #tpu.memory_space<vmem>>
        %dma_start3A_234 = tpu.memref_slice %arg10[%mul3A_229] : memref<2176xi32, #tpu.memory_space<vmem>> -> memref<128xi32, #tpu.memory_space<vmem>>
        %dma_start3A_235 = arith.constant 0 : i32
        %dma_start3A_236 = arith.constant 0 : i32
        %dma_start3A_237 = tpu.memref_slice %arg4[%dma_start3A_235, %dma_start3A_236] : memref<16384x128xf32, #tpu.memory_space<hbm>> -> memref<16384x128xf32, #tpu.memory_space<hbm>>
        %dma_start3A_238 = arith.constant -1 : i32
        %dma_start3A_239 = tpu.memref_slice %arg16[%select_n3A_227] : memref<2x!tpu.dma_semaphore, #tpu.memory_space<semaphore_mem>> -> memref<1x!tpu.dma_semaphore, #tpu.memory_space<semaphore_mem>>
        %dma_start3A_240 = tpu.memref_squeeze %dma_start3A_239 : memref<1x!tpu.dma_semaphore, #tpu.memory_space<semaphore_mem>> -> memref<!tpu.dma_semaphore, #tpu.memory_space<semaphore_mem>>
        tpu.enqueue_indirect_dma source(%dma_start3A_237 : memref<16384x128xf32, #tpu.memory_space<hbm>>) target(%dma_start3A_233 : memref<128x128xf32, #tpu.memory_space<vmem>>) offsets(%dma_start3A_234 : memref<128xi32, #tpu.memory_space<vmem>>) offset_filter(%dma_start3A_238) semaphore(%dma_start3A_240 : memref<!tpu.dma_semaphore, #tpu.memory_space<semaphore_mem>>)
      } else {
      }
      %while3A_209 = arith.constant 0 : i32
      scf.yield %while3A_209 : i32
    }
    %gt3A_136 = arith.constant 0 : i32
    %gt3A_137 = arith.cmpi sgt, %select_n3A_115, %gt3A_136 : i32
    %convert_element_type3A_138 = arith.extui %gt3A_137 : i1 to i32
    %cond3A_139 = arith.constant 0 : i32
    %cond3A_140 = arith.cmpi ne, %convert_element_type3A_138, %cond3A_139 : i32
    scf.if %cond3A_140 {
      %sub3A_141 = arith.constant 1 : i32
      %sub3A_142 = arith.subi %select_n3A_115, %sub3A_141 : i32
      %jit3A_143 = arith.constant 2 : i32
      %eq3A_144 = arith.constant 0 : i32
      %eq3A_145 = arith.cmpi eq, %jit3A_143, %eq3A_144 : i32
      %jit3A_146 = arith.constant 1 : i32
      %select_n3A_147 = arith.select %eq3A_145, %jit3A_146, %jit3A_143 : i32
      %rem3A_148 = arith.remsi %sub3A_142, %select_n3A_147 : i32
      %ne3A_149 = arith.constant 0 : i32
      %ne3A_150 = arith.cmpi ne, %rem3A_148, %ne3A_149 : i32
      %lt3A = arith.constant 0 : i32
      %lt3A_151 = arith.cmpi slt, %rem3A_148, %lt3A : i32
      %lt3A_152 = arith.constant 0 : i32
      %lt3A_153 = arith.cmpi slt, %select_n3A_147, %lt3A_152 : i32
      %ne3A_154 = arith.xori %lt3A_151, %lt3A_153 : i1
      %and3A_155 = arith.andi %ne3A_154, %ne3A_150 : i1
      %add3A_156 = arith.addi %rem3A_148, %select_n3A_147 : i32
      %select_n3A_157 = arith.select %and3A_155, %add3A_156, %rem3A_148 : i32
      %mul3A_158 = arith.constant 128 : i32
      %mul3A_159 = arith.muli %sub3A_142, %mul3A_158 : i32
      %dma_wait3A = arith.constant 0 : i32
      %dma_wait3A_160 = arith.constant 0 : i32
      %dma_wait3A_161 = tpu.memref_slice %arg12[%select_n3A_157, %dma_wait3A, %dma_wait3A_160] : memref<2x128x128xf32, #tpu.memory_space<vmem>> -> memref<1x128x128xf32, #tpu.memory_space<vmem>>
      %dma_wait3A_162 = tpu.memref_squeeze %dma_wait3A_161 : memref<1x128x128xf32, #tpu.memory_space<vmem>> -> memref<128x128xf32, #tpu.memory_space<vmem>>
      %dma_wait3A_163 = tpu.memref_slice %arg11[%mul3A_159] : memref<2176xi32, #tpu.memory_space<vmem>> -> memref<128xi32, #tpu.memory_space<vmem>>
      %dma_wait3A_164 = arith.constant 0 : i32
      %dma_wait3A_165 = arith.constant 0 : i32
      %dma_wait3A_166 = tpu.memref_slice %arg5[%dma_wait3A_164, %dma_wait3A_165] : memref<100000x128xf32, #tpu.memory_space<hbm>> -> memref<100000x128xf32, #tpu.memory_space<hbm>>
      %dma_wait3A_167 = tpu.memref_slice %arg17[%select_n3A_157] : memref<2x!tpu.dma_semaphore, #tpu.memory_space<semaphore_mem>> -> memref<1x!tpu.dma_semaphore, #tpu.memory_space<semaphore_mem>>
      %dma_wait3A_168 = tpu.memref_squeeze %dma_wait3A_167 : memref<1x!tpu.dma_semaphore, #tpu.memory_space<semaphore_mem>> -> memref<!tpu.dma_semaphore, #tpu.memory_space<semaphore_mem>>
      tpu.wait_indirect_dma semaphore(%dma_wait3A_168 : memref<!tpu.dma_semaphore, #tpu.memory_space<semaphore_mem>>) src(%dma_wait3A_162 : memref<128x128xf32, #tpu.memory_space<vmem>>) dst(%dma_wait3A_166 : memref<100000x128xf32, #tpu.memory_space<hbm>>)
    } else {
    }
    return
  }
}

</mosaic_0001>

<sc_bundles>
// kernel: _scatter_sc.3.cloned.1.call-start
scs
__scs_entry_jumppad:
0x0: {  	(pc) =	sbr.rel $0x88, $3  }
0x1: {  	(tag) =	ssettag $0x0;
	lr =	simm.s32 $0x1  }
0x2: {  	[smem:$0x3F9E] =	sst lr;
	_ =	strace $0xD0000000  }
0x3: {  	_ = 	snop  }
0x4: {  	_ = 	snop  }
0x5: {  	_ = 	snop  }
0x6: {  	_ = 	snop  }
0x7: {  	_ = 	snop  }
__scs_overlays_trampoline_lowered:
0x8: {  	[smem:$0x3FAD] =	sst s0  }
0x9: {  	[smem:$0x3FAE] =	sst s1  }
0xa: {  	[smem:$0x3FAF] =	sst s2  }
0xb: {  	[smem:$0x3FB0] =	sst s3  }
0xc: {  	[smem:$0x3FB1] =	sst s4  }
0xd: {  	[smem:$0x3FB2] =	sst s5  }
0xe: {  	[smem:$0x3FB3] =	sst s6  }
0xf: {  	[smem:$0x3FB4] =	sst s7  }
0x10: {  	[smem:$0x3FB5] =	sst s8  }
0x11: {  	[smem:$0x3FB6] =	sst s9;
	s0 =	simm.s32 @!p0 $0x0  }
0x12: {  	s1 =	sld [smem:$0x3F9C];
	s0 =	simm.s32 @p0 $0x1  }
0x13: {  	[smem:$0x3FB7] =	sst s0;
	s0 =	simm.s32 @!p1 $0x0  }
0x14: {  	s2 =	sld [smem:$0x3F9B];
	s0 =	simm.s32 @p1 $0x1  }
0x15: {  	[smem:$0x3FB8] =	sst s0;
	s0 =	simm.s32 @!p2 $0x0  }
0x16: {  	s3 =	sld [smem:$0x3FDB];
	s0 =	simm.s32 @p2 $0x1  }
0x17: {  	s4 =	simm.s32 $0x1BF5;
	[smem:$0x3FBA] =	sst s0  }
0x18: {  	s0 =	sld [smem:$0x3F9D];
	_ =	swait.ge [sflag:s4], $0x0  }
0x19: {  	s7 =	sld [smem:$0x3F9E]  }
0x1a: {  	s8 =	sadd.s32 $0xFFFFE003, lr  }
0x1b: {  	s9 =	sadd.s32 $0xFFFFFEF7, lr;
	s5 =	simm.s32 $0xFFFFFFFF;
	p2 =	slt.u32 s8, $0xFFFFF086  }
0x1c: {  	p1 =	slt.u32 s9, $0xF7A;
	s5 =	simm.s32 @!p2 $0x0  }
0x1d: {  	s5 =	simm.s32 @p1 $0x1;
	p0 =	seq.s32 s7, s2  }
0x1e: {  	s7 =	smul.u32 @!p0 $0xF7A, s2;
	p2 =	seq.s32 @!p0 s5, $0x0  }
0x1f: {  	s9 =	smul.u32 $0xF7A, s1;
	s8 =	simm.s32 @!p0 $0x1BF5;
	p2 =	por !p2, p0  }
0x20: {  	[sflag:s8] =	ssyncset.s32 @!p0 $0xFFFFF086;
	s6 =	sadd.s32 @!p0 s3, s7;
	s7 =	simm.s32 @!p0 $0x108  }
0x21: {  	s3 =	sadd.s32 s3, s9;
	s6 =	sadd.s32 @!p0 $0x88, s6;
	s7 =	simm.s32 @p2 $0x1082  }
0x22: {  	[simem:s7], [sflag:s8] =	dma.local @!p0 [hbm:s6], $0xF7A  }
0x23: {  	s9 =	sor.u32 $0xD0000000, s2;
	s6 =	simm.s32 $0x108;
	_ =	swait.ge @!p0 [sflag:s8], $0x0  }
0x24: {  	s3 =	sadd.s32 $0x88, s3;
	s6 =	simm.s32 @!p1 $0x1082;
	[sflag:s4] =	ssyncset.s32 $0xFFFFF086  }
0x25: {  	[simem:s6], [sflag:s4] =	dma.local [hbm:s3], $0xF7A  }
0x26: {  	[smem:$0x3F9E] =	sst s1;
	(tag) =	ssettag s2;
	_ =	strace s9  }
0x27: {  	s1 =	sld [smem:$0x3FAE]  }
0x28: {  	s2 =	sld [smem:$0x3FAF]  }
0x29: {  	s4 =	sld [smem:$0x3FB1]  }
0x2a: {  	p0 =	seq.s32 s5, $0x0;
	s5 =	sld [smem:$0x3FB2]  }
0x2b: {  	s6 =	sld [smem:$0x3FB3]  }
0x2c: {  	s7 =	sld [smem:$0x3FB4]  }
0x2d: {  	s3 =	simm.s32 $0x108;
	s8 =	sld [smem:$0x3FB5]  }
0x2e: {  	s3 =	simm.s32 @!p0 $0x1082;
	s9 =	sld [smem:$0x3FB6]  }
0x2f: {  	lr =	sadd.s32 s0, s3;
	s0 =	sld [smem:$0x3FAD]  }
0x30: {  	s3 =	sld [smem:$0x3FB0]  }
0x31: {  	[smem:$0x3FB9] =	sst s10  }
0x32: {  	s10 =	sld [smem:$0x3FB7];
	_ =	sdelay $0x3  }
0x33: {  	p0 =	seq.s32 s10, $0x1;
	s10 =	sld [smem:$0x3FB9];
	_ =	sdelay $0x3  }
0x34: {  	[smem:$0x3FB9] =	sst s10  }
0x35: {  	s10 =	sld [smem:$0x3FB8];
	_ =	sdelay $0x3  }
0x36: {  	p1 =	seq.s32 s10, $0x1;
	s10 =	sld [smem:$0x3FB9];
	_ =	sdelay $0x3  }
0x37: {  	[smem:$0x3FB9] =	sst s10  }
0x38: {  	s10 =	sld [smem:$0x3FBA]  }
0x39: {  	_ = 	snop;
	(pc) =	sbr.ind lr, $3  }
0x3a: {  	_ = 	snop  }
0x3b: {  	_ = 	snop  }
0x3c: {  	p2 =	seq.s32 s10, $0x1;
	s10 =	sld [smem:$0x3FB9]  }
0x3d: {  	_ =	shalt  }
0x3e: {  	_ =	shalt  }
0x3f: {  	_ =	shalt  }
0x40: {  	_ =	shalt  }
0x41: {  	_ =	shalt  }
0x42: {  	_ =	shalt  }
0x43: {  	_ =	shalt  }
0x44: {  	_ =	shalt  }
0x45: {  	_ =	shalt  }
0x46: {  	_ =	shalt  }
0x47: {  	_ =	shalt  }
0x48: {  	_ =	shalt  }
0x49: {  	_ =	shalt  }
0x4a: {  	_ =	shalt  }
0x4b: {  	_ =	shalt  }
0x4c: {  	_ =	shalt  }
0x4d: {  	_ =	shalt  }
0x4e: {  	_ =	shalt  }
0x4f: {  	_ =	shalt  }
0x50: {  	_ =	shalt  }
0x51: {  	_ =	shalt  }
0x52: {  	_ =	shalt  }
0x53: {  	_ =	shalt  }
0x54: {  	_ =	shalt  }
0x55: {  	_ =	shalt  }
0x56: {  	_ =	shalt  }
0x57: {  	_ =	shalt  }
0x58: {  	_ =	shalt  }
0x59: {  	_ =	shalt  }
0x5a: {  	_ =	shalt  }
0x5b: {  	_ =	shalt  }
0x5c: {  	_ =	shalt  }
0x5d: {  	_ =	shalt  }
0x5e: {  	_ =	shalt  }
0x5f: {  	_ =	shalt  }
0x60: {  	_ =	shalt  }
0x61: {  	_ =	shalt  }
0x62: {  	_ =	shalt  }
0x63: {  	_ =	shalt  }
0x64: {  	_ =	shalt  }
0x65: {  	_ =	shalt  }
0x66: {  	_ =	shalt  }
0x67: {  	_ =	shalt  }
0x68: {  	_ =	shalt  }
0x69: {  	_ =	shalt  }
0x6a: {  	_ =	shalt  }
0x6b: {  	_ =	shalt  }
0x6c: {  	_ =	shalt  }
0x6d: {  	_ =	shalt  }
0x6e: {  	_ =	shalt  }
0x6f: {  	_ =	shalt  }
0x70: {  	_ =	shalt  }
0x71: {  	_ =	shalt  }
0x72: {  	_ =	shalt  }
0x73: {  	_ =	shalt  }
0x74: {  	_ =	shalt  }
0x75: {  	_ =	shalt  }
0x76: {  	_ =	shalt  }
0x77: {  	_ =	shalt  }
0x78: {  	_ =	shalt  }
0x79: {  	_ =	shalt  }
0x7a: {  	_ =	shalt  }
0x7b: {  	_ =	shalt  }
0x7c: {  	_ =	shalt  }
0x7d: {  	_ =	shalt  }
0x7e: {  	_ =	shalt  }
0x7f: {  	_ =	shalt  }
0x80: {  	_ =	shalt  }
0x81: {  	_ =	shalt  }
0x82: {  	_ =	shalt  }
0x83: {  	_ =	shalt  }
0x84: {  	_ =	shalt  }
0x85: {  	_ =	shalt  }
0x86: {  	_ =	shalt  }
0x87: {  	_ =	shalt  }
.Lfunc_end0:
.L_simem_size_0:
called_computation_lowered:
.L_overlay_start_0:
0x88: {  	s2 =	sld [smem:$0x3FD9]  }
0x89: {  	s3 =	sld [smem:$0x3FFE];
	_ =	sdelay $0x1  }
0x8a: {  	s1 =	srdreg.scid  }
0x8b: {  	s0 =	sand.u32 $0x1, s1  }
0x8c: {  	s18 =	sshll.u32 s0, $0xA;
	s2 =	sadd.s32 s3, s2  }
0x8d: {  	s2 =	sadd.s32 s2, s18  }
0x8e: {  	[smem:$0x3FC5] =	sst s2  }
0x8f: {  	_ = 	snop  }
0x90: {  	s2 =	sld [smem:$0x3FC9]  }
0x91: {  	s19 =	sld [smem:$0x3FC8]  }
0x92: {  	s4 =	sld [smem:$0x3FC7]  }
0x93: {  	s5 =	sld [smem:$0x3FD0];
	(tm) =	ssettm $0x1  }
0x94: {  	s6 =	sld [smem:$0x3FFB];
	_ =	sdelay $0x3  }
0x95: {  	_ =	strace s6  }
0x96: {  	s6 =	sld [smem:$0x3FFC];
	_ =	sdelay $0x3  }
0x97: {  	_ =	strace s6  }
0x98: {  	s6 =	sld [smem:$0x3FFD];
	_ =	sdelay $0x3  }
0x99: {  	_ =	strace s6  }
0x9a: {  	_ =	strace $0x8FFFFFFF  }
0x9b: {  	s20 =	sld [smem:$0x3FDB];
	_ =	sdelay $0x1  }
0x9c: {  	s7 =	simm.s32 $_scs_section_size  }
0x9d: {  	s8 =	simm.s32 $_size__tile_overlayer_lowered;
	s9 =	simm.s32 $_tile_overlayer_lowered  }
0x9e: {  	s23 =	simm.s32 $0x1BFF;
	s22 =	sshll.u32 s9, $0x1;
	s6 =	sadd.s32 s7, s20  }
0x9f: {  	s10 =	simm.s32 $0x0;
	s21 =	sshll.u32 s8, $0x1;
	s8 =	sadd.s32 s22, s6  }
0xa0: {  	[timem:s10], [sflag:s23] =	dma.local [hbm:s8], s21  }
0xa1: {  	_ =	swait.ge [sflag:s23], s21  }
0xa2: {  	s7 =	ssub.s32 $0x0, s21;
	[sflag:s23] =	ssyncset.done $0x0  }
0xa3: {  	[sflag:s23] =	ssyncadd.s32 s7;
	_ =	sdelay $0x1  }
0xa4: {  	s24 =	simm.s32 $0x1B8B  }
0xa5: {  	_ =	swait.ge [sflag:s24], $0x1  }
0xa6: {  	[sflag:s24] =	ssyncset.done $0x0  }
0xa7: {  	s25 =	simm.s32 $0x1B8E;
	[sflag:s24] =	ssyncadd.s32 $0xFFFFFFFF  }
0xa8: {  	s26 =	simm.s32 $execute0_lowered;
	[smem:$0x3FD2] =	sst s25  }
0xa9: {  	s7 =	sshll.u32 s26, $0x1;
	_ =	strace $0x80000046;
	[dreg:$0x1] =	wrdreg $0xFFFFFFFF  }
0xaa: {  	s28 =	simm.s32 $_size_execute0_lowered;
	s6 =	sadd.s32 s6, s7;
	[dreg:$0x0] =	wrdreg $0x0  }
0xab: {  	s7 =	sshll.u32 s28, $0x1;
	[dreg:$0x2] =	wrdreg s6  }
0xac: {  	[dreg:$0x3] =	wrdreg s7  }
0xad: {  	[dreg:$0x4] =	wrdreg $0xC0  }
0xae: {  	_ =	task [dreg:s10], $0x5FFFF  }
0xaf: {  	[dreg:$0x1] =	wrdreg $0xFFFFFFFF  }
0xb0: {  	[dreg:$0x0] =	wrdreg $0x60  }
0xb1: {  	[dreg:$0x2] =	wrdreg s2  }
0xb2: {  	[dreg:$0x3] =	wrdreg s19  }
0xb3: {  	[dreg:$0x4] =	wrdreg s4  }
0xb4: {  	[dreg:$0x5] =	wrdreg s5  }
0xb5: {  	[dreg:$0x6] =	wrdreg $0x9  }
0xb6: {  	_ =	task.clear_ibuf [dreg:s10], $0x7FFFF;
	_ =	strace $0x90000046  }
0xb7: {  	s29 =	simm.s32 $0x9;
	_ =	strace $0x80000048  }
0xb8: {  	_ =	swait.ge [sflag:s29], $0x1  }
0xb9: {  	[sflag:s29] =	ssyncadd.s32 $0xFFFFFFFF  }
0xba: {  	_ =	strace $0x90000048  }
0xbb: {  	_ =	sfence  }
0xbc: {  	s30 =	sld [smem:$0x0];
	_ =	sdelay $0x2  }
0xbd: {  	s31 =	sshll.u32 s1, $0xD;
	s1 =	sshrl.u32 s1, $0x2  }
0xbe: {  	s3 =	sand.u32 $0x4000, s31;
	s1 =	sadd.s32 s1, s30  }
0xbf: {  	s0 =	sor.u32 s3, s0;
	s1 =	sshll.u32 s1, $0x11  }
0xc0: {  	s0 =	sor.u32 s1, s0  }
0xc1: {  	s0 =	sadd.s32 $0x8F2B, s0  }
0xc2: {  	[sflag:s0] =	ssyncadd.remote.s32 $0x1  }
0xc3: {  	_ =	sfence.sel $0xFFFF  }
0xc4: {  	[dreg:$0x0] =	wrdreg $0xFFFFFFFF;
	(pc) =	sbr.abs _section_cstart, $3  }
0xc5: {  	[dreg:$0x1] =	wrdreg $0xFFFFFFFF  }
0xc6: {  	_ =	task.clear_ibuf [dreg:s10], $0x2FFFF;
	_ =	strace $0x9FFFFFFF  }
0xc7: {  	(tm) =	ssettm $0x7FFFFFFF  }
tec
execute0_lowered:
.L_overlay_start_1:
0x0: {  	(tag) =	ssettag $0x1  }
0x1: {  	s1 =	rddreg [dreg:$0x0]  }
0x2: {  	s4 =	rddreg [dreg:$0x2]  }
0x3: {  	s5 =	rddreg [dreg:$0x3]  }
0x4: {  	s0 =	srdreg.scid;
	s8 =	stileid.u32  }
0x5: {  	s6 =	simm.s32 $0x0;
	s10 =	simm.s32 $0xBD8;
	s18 =	simm.s32 $0x4C80  }
0x6: {  	s19 =	simm.s32 $0x5480;
	s21 =	simm.s32 $0x5;
	s22 =	simm.s32 $0x6  }
0x7: {  	s23 =	simm.s32 $0x7;
	s25 =	simm.s32 $0x80;
	s26 =	simm.s32 $0x6500  }
0x8: {  	s0 =	sand.u32 $0x1, s0;
	s2 =	sshll.u32 s8, $0x1;
	s11 =	smul.u32 $0x1870, s8  }
0x9: {  	s3 =	ssub.s32 $0x2, s0;
	s2 =	sor.u32 s0, s2;
	s0 =	smul.u32 $0xC38, s0  }
0xa: {  	s31 =	simm.s32 $0x4000;
	[smem:$0x7FF] =	sst s6;
	s9 =	smul.u32 $0xC380, s2  }
0xb: {  	_ =	strace $0x80000047;
	s7 =	sshrl.u32 s3, $0x1;
	p0 =	seq.s32 s2, $0x1F  }
0xc: {  	v2 =	vimm.s32 $0xFFFFFFFF;
	v3 =	vimm.s32 $0x0;
	s3 =	ssub.s32 s3, s7;
	s0 =	sadd.s32 s0, s11;
	s29 =	sadd.s32 s1, s9  }
.Ltmp0:
0xd: {  	v4 =	vlaneseq.u32;
	vm12 =	vmmov $0x1;
	vm3 =	vcmask $0x704;
	s30 =	smax.u32 s3, $0x1;
	[dreg:$0x5] =	wrdreg s29;
	(pc) =	sbr.rel .LBB2_1-.Ltmp0, $4  }
0xe: {  	vm4 =	vcmask $0xB08;
	vm5 =	vcmask $0xF0C;
	vm6 =	vcmask $0x1310;
	s10 =	simm.s32 @!p0 $0xC38;
	s0 =	sadd.s32 $0xFFFFAD80, s0;
	[dreg:$0x8] =	wrdreg s30  }
0xf: {  	vm7 =	vcmask $0x1714;
	vm10 =	vcmask $0x2320;
	vm15 =	vcmask $0x2724;
	s7 =	smul.u32 $0xC38, s2;
	s9 =	sadd.s32 $0x880, s29;
	[dreg:$0x9] =	wrdreg s0  }
0x10: {  	vm0 =	vcmask $0x2B28;
	vm11 =	vcmask $0x3734;
	vm8 =	vcmask $0x3B38;
	s8 =	sadd.s32 $0xFFFFFF78, s10;
	s2 =	sadd.s32 $0x1100, s29;
	[dreg:$0x6] =	wrdreg s9  }
0x11: {  	vm9 =	vcmask $0x3F3C;
	v1 =	vmov s10;
	s3 =	simm.s32 $0x0;
	v0 =	vmov s7;
	s0 =	simm.s32 $0x5C80;
	[dreg:$0x7] =	wrdreg s2  }
.LBB2_30:
0x12: {  	_ = 	snop  }
.LBB2_35:
0x13: {  	p0 =	por p1, !p0;
	s9 =	sadd.s32 $0x9, s16  }
0x14: {  	[tilespmem:s29], [sflag:s28] =	stream.indirect.gather @!p0 [hbm4b:s4+s14], $0x80, s20, s14, $0x40b8;
	[tilespmem:$0x1FD80] =	vst v63  }
0x15: {  	_ =	swait.ge [sflag:s9], $0x4000  }
0x16: {  	s30 =	sadd.s32 $0xB, s30;
	[sflag:s9] =	ssyncset.done $0x0  }
0x17: {  	s12 =	sadd.s32 $0x6D80, s24;
	[sflag:s9] =	ssyncadd.s32 $0xFFFFC000;
	(ifvalue) =	ssetifvalue $0xFFFFFFFF  }
0x18: {  	s13 =	sadd.s32 $0xB, s16;
	p0 =	sge.s32 s17, s2;
	(ifvalue) =	ssetifvalue $0xFFFFFFFF  }
0x19: {  	[hbm4b:s5+s25] =	stream.indirect.scatter [tilespmem:s12], [sflag:s13], $0x80, s11, s25, $0x40b8;
	[tilespmem:$0x1FD80] =	vst v63  }
0x1a: {  	s9 =	sand.u32 @!p0 $0x1, s17;
	_ =	swait.ge [sflag:s30], $0x4000  }
0x1b: {  	s11 =	sshll.u32 @!p0 s9, $0xE;
	[sflag:s30] =	ssyncset.done $0x0  }
0x1c: {  	s9 =	sadd.s32 @!p0 $0x9, s9;
	[sflag:s30] =	ssyncadd.s32 $0xFFFFC000;
	(ifvalue) =	ssetifvalue @!p0 $0xFFFFFFFF  }
0x1d: {  	s12 =	simm.s32 @!p0 $0x80;
	s11 =	sadd.s32 @!p0 $0x6D80, s11;
	(ifvalue) =	ssetifvalue @!p0 $0xFFFFFFFF  }
0x1e: {  	[tilespmem:s11], [sflag:s9] =	stream.indirect.gather @!p0 [hbm4b:s4+s12], $0x80, s10, s12, $0x40b8;
	[tilespmem:$0x1FD80] =	vst v63  }
.LBB2_36:
0x1f: {  	s2 =	sxor.u32 $0xFFFFFFFF, s2  }
0x20: {  	s2 =	sand.u32 $0x1, s2  }
0x21: {  	s2 =	sadd.s32 $0xB, s2  }
0x22: {  	_ =	swait.ge [sflag:s2], $0x4000  }
0x23: {  	[sflag:s2] =	ssyncset.done $0x0  }
0x24: {  	[sflag:s2] =	ssyncadd.s32 $0xFFFFC000  }
.LBB2_37:
0x25: {  	s3 =	sadd.s32 $0x1, s3;
	s2 =	rddreg [dreg:$0x8]  }
0x26: {  	p0 =	sne.s32 s3, s2  }
.Ltmp1:
0x27: {  	_ = 	snop;
	(pc) =	sbr.rel @!p0 .LBB2_38-.Ltmp1, $1  }
0x28: {  	_ =	sdelay $0x3  }
.LBB2_1:
0x29: {  	s2 =	rddreg [dreg:$0x1];
	s30 =	simm.s32 $0xD  }
0x2a: {  	[tilespmem:s6], [sflag:$0xD] =	stream.linear.gather [hbm4b:s2+s6], $0x4000, $0x38;
	[tilespmem:$0x1FD80] =	vst v63  }
0x2b: {  	_ =	swait.ge [sflag:s30], $0x4000  }
0x2c: {  	[sflag:s30] =	ssyncset.done $0x0  }
0x2d: {  	s9 =	simm.s32 $0x0;
	s2 =	simm.s32 $0x40;
	[sflag:s30] =	ssyncadd.s32 $0xFFFFC000  }
.LBB2_2:
0x2e: {  	p0 =	sne.s32 s2, $0x30C0;
	[tilespmem:s9+$0x4000] =	vst v2;
	s9 =	smov.u32 s2;
	s2 =	sadd.s32 $0x40, s2  }
.Ltmp2:
0x2f: {  	(pc) =	sbr.rel @p0 .LBB2_2-.Ltmp2, $2  }
0x30: {  	_ =	sdelay $0x2  }
0x31: {  	s9 =	sshra.s32 s9, $0x2  }
0x32: {  	s2 =	rddreg [dreg:$0x5]  }
0x33: {  	s30 =	simm.s32 $0x0;
	s15 =	simm.s32 $0xED80;
	s16 =	rddreg [dreg:$0x6]  }
0x34: {  	[tilespmem:s9+$0x4000] =	vst v2;
	s17 =	simm.s32 $0x13180;
	s20 =	rddreg [dreg:$0x7];
	s24 =	simm.s32 $0x17580  }
0x35: {  	[tilespmem:s15], [sflag:$0x1] =	stream.linear.gather [hbm4b:s2+s30], $0x4400, $0x38;
	[tilespmem:$0x1FD80] =	vst v63  }
.Ltmp3:
0x36: {  	s28 =	simm.s32 $0xFFFFED80;
	s13 =	rddreg [dreg:$0x9];
	(pc) =	sbr.rel .LBB2_4-.Ltmp3, $4  }
0x37: {  	[tilespmem:s17], [sflag:$0x2] =	stream.linear.gather [hbm4b:s16+s30], $0x4400, $0x38;
	[tilespmem:$0x1FD80] =	vst v63  }
0x38: {  	s29 =	simm.s32 $0x0;
	s10 =	simm.s32 $0x0;
	s2 =	simm.s32 $0xFFFFFFF0  }
0x39: {  	[tilespmem:s24], [sflag:$0x3] =	stream.linear.gather [hbm4b:s20+s30], $0x4400, $0x38;
	[tilespmem:$0x1FD80] =	vst v63  }
0x3a: {  	s15 =	simm.s32 $0x0;
	s16 =	simm.s32 $0x0;
	s24 =	simm.s32 $0x0  }
.LBB2_13:
0x3b: {  	_ =	sdelay $0x3  }
0x3c: {  	vm10 =	vmmov vm15;
	vm15 =	vcmask $0x2724;
	vm0 =	vcmask $0x2B28  }
0x3d: {  	[tilespmem:v5+s31+$0x0] =	vst.idx.msk vm1, v6;
	vm11 =	vcmask $0x3734;
	vm8 =	vcmask $0x3B38;
	vm9 =	vcmask $0x3F3C  }
.LBB2_14:
0x3e: {  	s11 =	sadd.s32 $0x3, s24  }
.LBB2_23:
0x3f: {  	s9 =	sand.u32 $0x3, s11  }
0x40: {  	s12 =	sadd.s32 $0x5, s9  }
0x41: {  	_ =	swait.ge [sflag:s12], $0x4400  }
0x42: {  	[sflag:s12] =	ssyncset.done $0x0  }
0x43: {  	[sflag:s12] =	ssyncadd.s32 $0xFFFFBC00  }
.LBB2_25:
0x44: {  	s11 =	smul.u32 $0x88, s11;
	_ =	sdelay $0x1  }
0x45: {  	s12 =	smov.u32 s8;
	p0 =	slt.s32 s11, s8  }
0x46: {  	s14 =	smul.u32 $0x11000, s9;
	s12 =	smov.u32 @p0 s11  }
0x47: {  	s11 =	sadd.s32 s7, s12  }
0x48: {  	s17 =	sshrl.u32 s14, $0x2;
	s11 =	sshll.u32 s11, $0x4  }
0x49: {  	s20 =	sadd.s32 $0x1, s9;
	s12 =	sadd.s32 $0xED80, s17;
	s11 =	sadd.s32 s1, s11  }
0x4a: {  	[tilespmem:s12], [sflag:s20] =	stream.linear.gather [hbm4b:s11+s6], $0x4400, $0x38;
	[tilespmem:$0x1FD80] =	vst v63  }
.LBB2_26:
0x4b: {  	s24 =	sadd.s32 $0x1, s24  }
0x4c: {  	p0 =	seq.s32 s24, $0x17  }
.Ltmp4:
0x4d: {  	_ = 	snop;
	(pc) =	sbr.rel @p0 .LBB2_27-.Ltmp4, $3  }
0x4e: {  	_ =	sdelay $0x1  }
0x4f: {  	s28 =	sadd.s32 $0x420, s28;
	s13 =	sadd.s32 $0x420, s13  }
0x50: {  	s2 =	sadd.s32 $0x1, s2;
	s16 =	sadd.s32 $0x400, s16;
	s15 =	sadd.s32 $0x400, s15  }
.LBB2_4:
0x51: {  	s9 =	smul.u32 $0x88, s24;
	_ =	sdelay $0x1  }
0x52: {  	s11 =	sand.u32 $0x3, s24;
	s14 =	smov.u32 s8;
	p0 =	slt.s32 s9, s8  }
0x53: {  	s17 =	smul.u32 $0x11000, s11;
	s14 =	smov.u32 @p0 s9;
	p0 =	sgt.u32 s24, $0xF  }
.Ltmp5:
0x54: {  	s12 =	sadd.s32 $0x1, s11;
	(pc) =	sbr.rel @p0 .LBB2_9-.Ltmp5, $4  }
0x55: {  	s11 =	sadd.s32 $0x5, s11;
	_ =	swait.ge [sflag:s12], $0x4400;
	s14 =	sadd.s32 s7, s14  }
0x56: {  	[sflag:s12] =	ssyncset.done $0x0;
	s9 =	sshrl.u32 s17, $0x2;
	s20 =	sshll.u32 s14, $0x4  }
0x57: {  	[sflag:s12] =	ssyncadd.s32 $0xFFFFBC00;
	s9 =	sadd.s32 $0xED80, s9;
	s12 =	sadd.s32 s5, s20  }
0x58: {  	[hbm4b:s12+s30] =	stream.linear.scatter [tilespmem:s9], [sflag:s11], $0x4400, $0x38;
	[tilespmem:$0x1FD80] =	vst v63  }
0x59: {  	s9 =	sadd.s32 $0x0, s16  }
0x5a: {  	v5 =	vld [tilespmem:s9+$0x0];
	_ =	sdelay $0x4  }
0x5b: {  	v5 =	vsub.s32 v5, v0  }
0x5c: {  	vm2 =	vgt.s32 v5, $0xFFFFFFFF;
	vm1 =	vlt.s32 v5, v1  }
0x5d: {  	vm1 =	vmand vm2, vm1  }
0x5e: {  	v6 =	vsel vm1, $0x1, v3  }
0x5f: {  	(xrf0) =	vadd.scan.msk.s32 $0xffff, v6;
	_ =	sdelay $0x5  }
0x60: {  	v7, _, _ =	vpop (xrf0)  }
0x61: {  	v6 =	vsub.s32 v7, v6  }
0x62: {  	v8 =	vmpcnt.ones.xlane vm1;
	v6 =	vadd.s32 s10, v6;
	_ =	sdelay $0x1  }
0x63: {  	(v2sf) =	vpush v8, $0x0;
	_ =	sdelay $0x1  }
0x64: {  	v7 =	vor.u32 s15, v4  }
0x65: {  	[tilespmem:v6+s18+$0x0] =	vst.idx.msk vm1, v7  }
0x66: {  	s17 =	sadd.s32 $0x10, s16;
	[tilespmem:v6+s19+$0x0] =	vst.idx.msk vm1, v5  }
0x67: {  	v5 =	vld [tilespmem:s17+$0x0];
	_ =	sdelay $0x4  }
0x68: {  	v5 =	vsub.s32 v5, v0  }
0x69: {  	vm2 =	vgt.s32 v5, $0xFFFFFFFF;
	vm1 =	vlt.s32 v5, v1  }
0x6a: {  	vm1 =	vmand vm2, vm1  }
0x6b: {  	v6 =	vsel vm1, $0x1, v3;
	v7 =	vmpcnt.ones.xlane vm1  }
0x6c: {  	(xrf0) =	vadd.scan.msk.s32 $0xffff, v6  }
0x6d: {  	s20 =	spop (v2sf);
	(v2sf) =	vpush v7, $0x0;
	_ =	sdelay $0x4  }
0x6e: {  	v8, _, _ =	vpop (xrf0)  }
0x6f: {  	s9 =	sadd.s32 s10, s20;
	v6 =	vsub.s32 v8, v6  }
0x70: {  	v6 =	vadd.s32 s9, v6;
	_ =	sdelay $0x1  }
0x71: {  	s12 =	simm.s32 $0xC0;
	s11 =	smov.u32 s15;
	s10 =	simm.s32 $0x80  }
.LBB2_6:
0x72: {  	p0 =	sne.s32 s12, $0xFC0;
	s11 =	sadd.s32 $0x10, s11  }
0x73: {  	v7 =	vor.u32 s11, v4  }
0x74: {  	s14 =	sshra.s32 s10, $0x2;
	s10 =	smov.u32 s12;
	[tilespmem:v6+s18+$0x0] =	vst.idx.msk vm1, v7  }
0x75: {  	s14 =	sadd.s32 s14, s16;
	[tilespmem:v6+s19+$0x0] =	vst.idx.msk vm1, v5  }
0x76: {  	v5 =	vld [tilespmem:s14+$0x0]  }
0x77: {  	s14 =	spop (v2sf)  }
0x78: {  	s9 =	sadd.s32 s9, s14;
	_ =	sdelay $0x2  }
0x79: {  	v5 =	vsub.s32 v5, v0  }
0x7a: {  	vm1 =	vgt.s32 v5, $0xFFFFFFFF;
	vm2 =	vlt.s32 v5, v1  }
0x7b: {  	vm1 =	vmand vm1, vm2  }
0x7c: {  	v6 =	vsel vm1, $0x1, v3;
	v7 =	vmpcnt.ones.xlane vm1  }
0x7d: {  	(xrf0) =	vadd.scan.msk.s32 $0xffff, v6  }
0x7e: {  	(v2sf) =	vpush v7, $0x0;
	_ =	sdelay $0x4  }
.Ltmp6:
0x7f: {  	v7, _, _ =	vpop (xrf0);
	(pc) =	sbr.rel @p0 .LBB2_6-.Ltmp6, $3  }
0x80: {  	v6 =	vsub.s32 v7, v6  }
0x81: {  	v6 =	vadd.s32 s9, v6;
	_ =	sdelay $0x1  }
0x82: {  	s12 =	sadd.s32 $0x40, s12  }
0x83: {  	_ =	sdelay $0x2  }
0x84: {  	s11 =	sadd.s32 $0x10, s11  }
0x85: {  	v7 =	vor.u32 s11, v4  }
0x86: {  	s10 =	sshra.s32 s10, $0x2;
	[tilespmem:v6+s18+$0x0] =	vst.idx.msk vm1, v7  }
0x87: {  	s10 =	sadd.s32 s10, s16;
	[tilespmem:v6+s19+$0x0] =	vst.idx.msk vm1, v5  }
0x88: {  	v5 =	vld [tilespmem:s10+$0x0];
	_ =	sdelay $0x4  }
0x89: {  	v5 =	vsub.s32 v5, v0  }
0x8a: {  	vm1 =	vgt.s32 v5, $0xFFFFFFFF;
	vm2 =	vlt.s32 v5, v1  }
0x8b: {  	vm1 =	vmand vm1, vm2  }
0x8c: {  	v6 =	vmpcnt.ones.xlane vm1;
	_ =	sdelay $0x1  }
0x8d: {  	(v2sf) =	vpush v6, $0x0  }
0x8e: {  	v6 =	vsel vm1, $0x1, v3  }
0x8f: {  	(xrf0) =	vadd.scan.msk.s32 $0xffff, v6;
	_ =	sdelay $0x5  }
0x90: {  	s14 =	spop (v2sf);
	v7, _, _ =	vpop (xrf0)  }
0x91: {  	s9 =	sadd.s32 s9, s14;
	v6 =	vsub.s32 v7, v6  }
0x92: {  	v6 =	vadd.s32 s9, v6  }
0x93: {  	p0 =	sne.s32 s24, $0xF  }
.Ltmp7:
0x94: {  	_ = 	snop;
	(pc) =	sbr.rel @p0 .LBB2_22-.Ltmp7, $4  }
0x95: {  	s17 =	sadd.s32 $0x10, s11  }
0x96: {  	v7 =	vor.u32 s17, v4  }
0x97: {  	[tilespmem:v6+s18+$0x0] =	vst.idx.msk vm1, v7;
	s20 =	spop (v2sf)  }
0x98: {  	[tilespmem:v6+s19+$0x0] =	vst.idx.msk vm1, v5;
	s10 =	sadd.s32 s9, s20  }
.Ltmp8:
0x99: {  	(pc) =	sbr.rel .LBB2_23-.Ltmp8, $3  }
0x9a: {  	_ =	sdelay $0x1  }
0x9b: {  	[tilespmem:s10+$0x4C80] =	vst v2  }
0x9c: {  	[tilespmem:s10+$0x5480] =	vst v2;
	s11 =	simm.s32 $0x12  }
.LBB2_9:
0x9d: {  	p0 =	sgt.u32 s24, $0x13  }
.Ltmp9:
0x9e: {  	_ = 	snop;
	(pc) =	sbr.rel @p0 .LBB2_15-.Ltmp9, $1  }
0x9f: {  	_ =	sdelay $0x3  }
0xa0: {  	s9 =	sadd.s32 $0xF, s10  }
0xa1: {  	s11 =	sand.u32 $0xF, s9  }
0xa2: {  	s12 =	sshra.s32 s9, $0x1F;
	p0 =	slt.s32 s9, $0x1;
	p1 =	sne.s32 s11, $0x0  }
0xa3: {  	s17 =	sshrl.u32 s12, $0x1C;
	p0 =	por !p0, !p1  }
0xa4: {  	s11 =	simm.s32 $0x1;
	s9 =	sadd.s32 s17, s9;
	p0 =	por !p0, !p0  }
0xa5: {  	s9 =	sshra.s32 s9, $0x4;
	s11 =	simm.s32 @!p0 $0x0  }
0xa6: {  	s12 =	ssub.s32 s9, s11  }
0xa7: {  	s9 =	sadd.s32 $0x3, s12  }
0xa8: {  	s20 =	sand.u32 $0x3, s9  }
0xa9: {  	p5 =	slt.s32 s12, $0xFFFFFFFE;
	p6 =	sne.s32 s20, $0x0  }
0xaa: {  	s14 =	sshrl.u32 s9, $0x1E;
	p0 =	por !p5, !p6  }
0xab: {  	s11 =	simm.s32 $0x1;
	s9 =	sadd.s32 s14, s9;
	p0 =	por !p0, !p0  }
0xac: {  	s9 =	sshra.s32 s9, $0x2;
	s11 =	simm.s32 @!p0 $0x0  }
0xad: {  	s17 =	sadd.s32 $0xFFFFFFF1, s24;
	s14 =	ssub.s32 s9, s11  }
0xae: {  	s17 =	smul.u32 s17, s14  }
0xaf: {  	s20 =	sadd.s32 $0xFFFFFFF0, s24  }
0xb0: {  	s11 =	smov.u32 s12;
	s9 =	smul.u32 s20, s14;
	p0 =	slt.s32 s17, s12  }
0xb1: {  	s11 =	smov.u32 @p0 s17  }
0xb2: {  	p0 =	sge.s32 s9, s11  }
.Ltmp10:
0xb3: {  	_ = 	snop;
	(pc) =	sbr.rel @p0 .LBB2_14-.Ltmp10, $1  }
0xb4: {  	_ =	sdelay $0x3  }
0xb5: {  	s14 =	smul.u32 s14, s2;
	_ =	sdelay $0x1  }
0xb6: {  	p1 =	slt.s32 s14, s12  }
0xb7: {  	p0 =	slt.s32 s9, s12;
	s20 =	smov.u32 s12;
	s12 =	smov.u32 @p1 s14  }
0xb8: {  	s12 =	sshll.u32 s12, $0x6  }
0xb9: {  	s17 =	sshra.s32 s12, $0x2  }
0xba: {  	s12 =	sadd.s32 $0x5480, s17  }
0xbb: {  	v5 =	vld [tilespmem:s12+$0x0];
	_ =	sdelay $0x4  }
0xbc: {  	vm1 =	vgt.s32 v5, $0xFFFFFFFF  }
0xbd: {  	vm13 =	vmmov vm8;
	v7 =	vimm.s32 $0x0;
	vm8 =	vmand vm1, vm3  }
0xbe: {  	s17 =	sadd.s32 $0x4C80, s17;
	vm2 =	vmand vm1, vm12;
	v7 =	vsel vm8, $0xFFFFFFFF, v7  }
0xbf: {  	v6 =	vld [tilespmem:s17+$0x0];
	vm8 =	vmand vm1, vm5;
	[tilespmem:$0x1FF80] =	vst v7;
	v7 =	vimm.s32 $0x0  }
0xc0: {  	v7 =	vsel vm8, $0xFFFFFFFF, v7  }
0xc1: {  	vm8 =	vmand vm1, vm6;
	[tilespmem:$0x1FF90] =	vst v7;
	v7 =	vimm.s32 $0x0  }
0xc2: {  	v7 =	vsel vm8, $0xFFFFFFFF, v7  }
0xc3: {  	vm9 =	vmand vm1, vm7;
	[tilespmem:$0x1FFA0] =	vst v7;
	v7 =	vimm.s32 $0x0  }
0xc4: {  	[tilespmem:v5+s31+$0x0] =	vst.idx.msk vm2, v6;
	v7 =	vsel vm9, $0xFFFFFFFF, v7;
	vm9 =	vcmask $0x1B18  }
0xc5: {  	[tilespmem:$0x1FFB0] =	vst v7;
	vm2 =	vmand vm1, vm9;
	v7 =	vimm.s32 $0x0  }
0xc6: {  	v7 =	vsel vm2, $0xFFFFFFFF, v7  }
0xc7: {  	[tilespmem:$0x1FFC0] =	vst v7;
	v7 =	vld [tilespmem:$0x1FF80];
	_ =	sdelay $0x4  }
0xc8: {  	vm2 =	vnez.u8 v7;
	_ =	sdelay $0x5  }
0xc9: {  	[tilespmem:v5+s31+$0x0] =	vst.idx.msk vm2, v6;
	vm2 =	vmmov vm0  }
0xca: {  	vm0 =	vmmov vm15;
	vm15 =	vmmov vm10;
	vm10 =	vcmask $0x1F1C  }
0xcb: {  	v7 =	vimm.s32 $0x0;
	vm8 =	vmand vm1, vm10  }
0xcc: {  	vm14 =	vmand vm1, vm4;
	v7 =	vsel vm8, $0xFFFFFFFF, v7  }
0xcd: {  	[tilespmem:$0x1FFD0] =	vst v7;
	v7 =	vld [tilespmem:$0x1FF90];
	_ =	sdelay $0x4  }
0xce: {  	[tilespmem:v5+s31+$0x0] =	vst.idx.msk vm14, v6;
	vm0 =	vmand vm1, vm0;
	vm14 =	vnez.u8 v7;
	v7 =	vimm.s32 $0x0  }
0xcf: {  	v7 =	vsel vm0, $0xFFFFFFFF, v7  }
0xd0: {  	[tilespmem:$0x1FFE0] =	vst v7;
	v7 =	vld [tilespmem:$0x1FFA0];
	_ =	sdelay $0x4  }
0xd1: {  	vm0 =	vnez.u8 v7;
	_ =	sdelay $0x4  }
0xd2: {  	[tilespmem:v5+s31+$0x0] =	vst.idx.msk vm14, v6  }
0xd3: {  	v7 =	vimm.s32 $0x0;
	[tilespmem:v5+s31+$0x0] =	vst.idx.msk vm0, v6;
	vm0 =	vmand vm1, vm2  }
0xd4: {  	v7 =	vsel vm0, $0xFFFFFFFF, v7  }
0xd5: {  	[tilespmem:$0x1FFF0] =	vst v7;
	v7 =	vld [tilespmem:$0x1FFB0];
	_ =	sdelay $0x4  }
0xd6: {  	vm0 =	vnez.u8 v7;
	_ =	sdelay $0x1  }
0xd7: {  	v7 =	vld [tilespmem:$0x1FFC0];
	_ =	sdelay $0x3  }
0xd8: {  	[tilespmem:v5+s31+$0x0] =	vst.idx.msk vm0, v6;
	vm0 =	vcmask $0x2F2C  }
0xd9: {  	vm2 =	vmand vm1, vm0;
	vm0 =	vnez.u8 v7;
	_ =	sdelay $0x1  }
0xda: {  	v7 =	vld [tilespmem:$0x1FFD0];
	_ =	sdelay $0x3  }
0xdb: {  	[tilespmem:v5+s31+$0x0] =	vst.idx.msk vm0, v6;
	vm0 =	vcmask $0x3330  }
0xdc: {  	vm14 =	vmand vm1, vm0;
	vm0 =	vnez.u8 v7  }
0xdd: {  	v7 =	vld [tilespmem:$0x1FFE0];
	_ =	sdelay $0x3  }
0xde: {  	vm8 =	vmand vm1, vm15  }
0xdf: {  	[tilespmem:v5+s31+$0x0] =	vst.idx.msk vm0, v6;
	vm0 =	vnez.u8 v7  }
0xe0: {  	v7 =	vld [tilespmem:$0x1FFF0];
	_ =	sdelay $0x3  }
0xe1: {  	[tilespmem:v5+s31+$0x0] =	vst.idx.msk vm8, v6  }
0xe2: {  	[tilespmem:v5+s31+$0x0] =	vst.idx.msk vm0, v6;
	vm0 =	vnez.u8 v7;
	_ =	sdelay $0x4  }
0xe3: {  	s20 =	smov.u32 @p0 s9;
	vm11 =	vmand vm1, vm11  }
0xe4: {  	s9 =	sadd.s32 $0x1, s20;
	vm8 =	vmand vm1, vm13;
	[tilespmem:v5+s31+$0x0] =	vst.idx.msk vm0, v6;
	vm0 =	vcmask $0x3F3C  }
0xe5: {  	p0 =	slt.s32 s9, s11;
	vm1 =	vmand vm1, vm0  }
.Ltmp11:
0xe6: {  	_ = 	snop;
	(pc) =	sbr.rel @!p0 .LBB2_13-.Ltmp11, $4  }
0xe7: {  	[tilespmem:v5+s31+$0x0] =	vst.idx.msk vm2, v6  }
0xe8: {  	[tilespmem:v5+s31+$0x0] =	vst.idx.msk vm14, v6  }
0xe9: {  	[tilespmem:v5+s31+$0x0] =	vst.idx.msk vm11, v6  }
0xea: {  	vm13 =	vmmov vm9;
	vm14 =	vmmov vm10;
	[tilespmem:v5+s31+$0x0] =	vst.idx.msk vm8, v6  }
.LBB2_12:
0xeb: {  	s9 =	sadd.s32 $0x1, s9;
	[tilespmem:v5+s31+$0x0] =	vst.idx.msk vm1, v6;
	s12 =	sadd.s32 $0x10, s12;
	s17 =	sadd.s32 $0x10, s17  }
0xec: {  	v5 =	vld [tilespmem:s12+$0x0];
	p0 =	slt.s32 s9, s11;
	_ =	sdelay $0x4  }
0xed: {  	vm1 =	vgt.s32 v5, $0xFFFFFFFF  }
0xee: {  	vm2 =	vmand vm1, vm12  }
0xef: {  	vm8 =	vmmov vm3;
	vm3 =	vmand vm1, vm3;
	v6 =	vld [tilespmem:s17+$0x0]  }
0xf0: {  	vm9 =	vmmov vm4;
	vm4 =	vmand vm1, vm4  }
0xf1: {  	vm10 =	vmand vm1, vm5  }
0xf2: {  	vm11 =	vmand vm1, vm6  }
0xf3: {  	vm0 =	vmmov vm12;
	vm12 =	vmand vm1, vm7  }
0xf4: {  	[tilespmem:v5+s31+$0x0] =	vst.idx.msk vm2, v6;
	vm2 =	vmand vm1, vm13  }
0xf5: {  	[tilespmem:v5+s31+$0x0] =	vst.idx.msk vm3, v6;
	vm3 =	vmand vm1, vm14  }
0xf6: {  	[tilespmem:v5+s31+$0x0] =	vst.idx.msk vm4, v6;
	vm4 =	vmand vm1, vm15  }
0xf7: {  	[tilespmem:v5+s31+$0x0] =	vst.idx.msk vm10, v6;
	vm10 =	vcmask $0x2724  }
0xf8: {  	vm10 =	vmand vm1, vm10  }
0xf9: {  	[tilespmem:v5+s31+$0x0] =	vst.idx.msk vm11, v6;
	vm11 =	vcmask $0x2B28  }
0xfa: {  	vm11 =	vmand vm1, vm11  }
0xfb: {  	[tilespmem:v5+s31+$0x0] =	vst.idx.msk vm12, v6;
	vm12 =	vcmask $0x2F2C  }
0xfc: {  	vm12 =	vmand vm1, vm12  }
0xfd: {  	[tilespmem:v5+s31+$0x0] =	vst.idx.msk vm2, v6;
	vm2 =	vcmask $0x3330  }
0xfe: {  	vm2 =	vmand vm1, vm2  }
0xff: {  	[tilespmem:v5+s31+$0x0] =	vst.idx.msk vm3, v6;
	vm3 =	vcmask $0x3734  }
0x100: {  	vm3 =	vmand vm1, vm3  }
0x101: {  	[tilespmem:v5+s31+$0x0] =	vst.idx.msk vm4, v6;
	vm4 =	vcmask $0x3B38  }
0x102: {  	vm4 =	vmand vm1, vm4  }
0x103: {  	[tilespmem:v5+s31+$0x0] =	vst.idx.msk vm10, v6;
	vm10 =	vcmask $0x3F3C  }
0x104: {  	vm1 =	vmand vm1, vm10  }
.Ltmp12:
0x105: {  	[tilespmem:v5+s31+$0x0] =	vst.idx.msk vm11, v6;
	(pc) =	sbr.rel @p0 .LBB2_12-.Ltmp12, $4  }
0x106: {  	[tilespmem:v5+s31+$0x0] =	vst.idx.msk vm12, v6;
	vm12 =	vmmov vm0  }
0x107: {  	[tilespmem:v5+s31+$0x0] =	vst.idx.msk vm2, v6  }
0x108: {  	[tilespmem:v5+s31+$0x0] =	vst.idx.msk vm3, v6;
	vm3 =	vmmov vm8  }
0x109: {  	[tilespmem:v5+s31+$0x0] =	vst.idx.msk vm4, v6;
	vm4 =	vmmov vm9  }
.Ltmp13:
0x10a: {  	_ = 	snop;
	(pc) =	sbr.rel .LBB2_13-.Ltmp13, $1  }
0x10b: {  	_ =	sdelay $0x3  }
.LBB2_22:
0x10c: {  	s9 =	sadd.s32 $0xFFFFFFFF, s24  }
0x10d: {  	p0 =	sgt.u32 s9, $0x12  }
.Ltmp14:
0x10e: {  	_ = 	snop;
	(pc) =	sbr.rel @!p0 .LBB2_23-.Ltmp14, $2  }
0x10f: {  	_ =	sdelay $0x2  }
0x110: {  	s11 =	sadd.s32 $0x3, s24  }
.Ltmp15:
0x111: {  	(pc) =	sbr.rel .LBB2_25-.Ltmp15, $2  }
0x112: {  	_ =	sdelay $0x2  }
0x113: {  	s9 =	sand.u32 $0x3, s11  }
.LBB2_15:
0x114: {  	s9 =	smul.u32 $0x42, s24;
	_ =	sdelay $0x1  }
0x115: {  	s11 =	smin.u32 s9, $0x5AA  }
0x116: {  	s9 =	sadd.s32 $0xFFFFFAD8, s9;
	s11 =	sadd.s32 $0xFFFFFB1A, s11  }
0x117: {  	p0 =	sge.u32 s9, s11  }
.Ltmp16:
0x118: {  	_ = 	snop;
	(pc) =	sbr.rel @p0 .LBB2_26-.Ltmp16, $1  }
0x119: {  	_ =	sdelay $0x3  }
0x11a: {  	v5 =	vld [tilespmem:s28+$0x0];
	_ =	sdelay $0x4  }
0x11b: {  	vm1 =	vgt.s32 v5, $0xFFFFFFFF  }
0x11c: {  	v6 =	vsel vm1, $0x1, v3  }
0x11d: {  	(xrf0) =	vadd.scan.msk.s32 $0xffff, v6;
	_ =	sdelay $0x1  }
0x11e: {  	s12 =	sadd.s32 $0x1, s9  }
0x11f: {  	p1 =	slt.s32 s12, s11  }
.Ltmp17:
0x120: {  	_ = 	snop;
	(pc) =	sbr.rel @!p1 .LBB2_17-.Ltmp17, $4  }
0x121: {  	_ = 	snop  }
0x122: {  	v7 =	vmpcnt.ones.xlane vm1;
	v8, _, _ =	vpop (xrf0)  }
0x123: {  	v6 =	vsub.s32 v8, v6  }
0x124: {  	p0 =	por $0x0, $0x0;
	(v2sf) =	vpush v7, $0x0;
	v6 =	vadd.s32 s29, v6  }
0x125: {  	_ =	sdelay $0x4  }
0x126: {  	[tilespmem:v6+s0+$0x0] =	vst.idx.msk vm1, v5;
	v5 =	vadd.s32 s13, v4  }
0x127: {  	s9 =	sadd.s32 $0x10, s28;
	[tilespmem:v6+s26+$0x0] =	vst.idx.msk vm1, v5  }
0x128: {  	v5 =	vld [tilespmem:s9+$0x0];
	_ =	sdelay $0x4  }
0x129: {  	vm1 =	vgt.s32 v5, $0xFFFFFFFF  }
0x12a: {  	v6 =	vsel vm1, $0x1, v3;
	v7 =	vmpcnt.ones.xlane vm1  }
0x12b: {  	(xrf0) =	vadd.scan.msk.s32 $0xffff, v6  }
0x12c: {  	s14 =	spop (v2sf);
	(v2sf) =	vpush v7, $0x0  }
0x12d: {  	s12 =	sadd.s32 $0x1, s12  }
0x12e: {  	p1 =	slt.s32 s12, s11  }
.Ltmp18:
0x12f: {  	_ = 	snop;
	(pc) =	sbr.rel @!p1 .LBB2_19-.Ltmp18, $4  }
0x130: {  	_ = 	snop  }
0x131: {  	v8, _, _ =	vpop (xrf0)  }
0x132: {  	s29 =	sadd.s32 s29, s14;
	v6 =	vsub.s32 v8, v6  }
0x133: {  	p0 =	por $0x1, $0x1;
	s17 =	smov.u32 s13;
	v6 =	vadd.s32 s29, v6  }
.LBB2_20:
0x134: {  	_ =	sdelay $0x2  }
0x135: {  	s12 =	sadd.s32 $0x1, s12;
	s17 =	sadd.s32 $0x10, s17  }
0x136: {  	p1 =	slt.s32 s12, s11;
	[tilespmem:v6+s0+$0x0] =	vst.idx.msk vm1, v5;
	v5 =	vadd.s32 s17, v4  }
0x137: {  	s9 =	sadd.s32 $0x10, s9;
	[tilespmem:v6+s26+$0x0] =	vst.idx.msk vm1, v5  }
0x138: {  	v5 =	vld [tilespmem:s9+$0x0]  }
0x139: {  	s14 =	spop (v2sf)  }
0x13a: {  	s29 =	sadd.s32 s29, s14;
	_ =	sdelay $0x2  }
0x13b: {  	vm1 =	vgt.s32 v5, $0xFFFFFFFF  }
0x13c: {  	v6 =	vsel vm1, $0x1, v3;
	v7 =	vmpcnt.ones.xlane vm1  }
0x13d: {  	(xrf0) =	vadd.scan.msk.s32 $0xffff, v6  }
0x13e: {  	(v2sf) =	vpush v7, $0x0;
	_ =	sdelay $0x2  }
.Ltmp19:
0x13f: {  	(pc) =	sbr.rel @p1 .LBB2_20-.Ltmp19, $4  }
0x140: {  	_ = 	snop  }
0x141: {  	v7, _, _ =	vpop (xrf0)  }
0x142: {  	v6 =	vsub.s32 v7, v6  }
0x143: {  	v6 =	vadd.s32 s29, v6  }
.LBB2_21:
0x144: {  	_ =	sdelay $0x3  }
.Ltmp20:
0x145: {  	_ = 	snop;
	(pc) =	sbr.rel .LBB2_26-.Ltmp20, $4  }
0x146: {  	s9 =	sadd.s32 @p0 $0x10, s17;
	s11 =	smov.u32 s13  }
0x147: {  	s11 =	smov.u32 @p0 s9  }
0x148: {  	[tilespmem:v6+s0+$0x0] =	vst.idx.msk vm1, v5;
	v5 =	vadd.s32 s11, v4;
	s20 =	spop (v2sf)  }
0x149: {  	[tilespmem:v6+s26+$0x0] =	vst.idx.msk vm1, v5;
	s29 =	sadd.s32 s29, s20  }
.LBB2_17:
.Ltmp21:
0x14a: {  	(pc) =	sbr.rel .LBB2_21-.Ltmp21, $2  }
0x14b: {  	_ =	sdelay $0x2  }
0x14c: {  	s17 =	smov.u32 s13  }
.LBB2_19:
.Ltmp22:
0x14d: {  	(pc) =	sbr.rel .LBB2_21-.Ltmp22, $2  }
0x14e: {  	_ =	sdelay $0x2  }
0x14f: {  	s17 =	smov.u32 s13  }
.LBB2_27:
0x150: {  	[tilespmem:s29+$0x5C80] =	vst v2  }
0x151: {  	[tilespmem:s29+$0x6500] =	vst v2  }
0x152: {  	[tilespmem:s29+$0x5C90] =	vst v2  }
0x153: {  	[tilespmem:s29+$0x6510] =	vst v2  }
0x154: {  	[tilespmem:s29+$0x5CA0] =	vst v2  }
0x155: {  	[tilespmem:s29+$0x6520] =	vst v2  }
0x156: {  	[tilespmem:s29+$0x5CB0] =	vst v2  }
0x157: {  	[tilespmem:s29+$0x6530] =	vst v2;
	s2 =	sadd.s32 $0x7F, s29  }
0x158: {  	[tilespmem:s29+$0x5CC0] =	vst v2;
	s9 =	sand.u32 $0x7F, s2  }
0x159: {  	[tilespmem:s29+$0x6540] =	vst v2;
	s10 =	sshra.s32 s2, $0x1F;
	p0 =	slt.s32 s2, $0x1;
	p1 =	sne.s32 s9, $0x0  }
0x15a: {  	[tilespmem:s29+$0x5CD0] =	vst v2;
	s28 =	sshrl.u32 s10, $0x19;
	p0 =	por !p0, !p1  }
0x15b: {  	[tilespmem:s29+$0x6550] =	vst v2;
	s9 =	simm.s32 $0x1;
	s2 =	sadd.s32 s28, s2;
	p0 =	por !p0, !p0  }
0x15c: {  	[tilespmem:s29+$0x5CE0] =	vst v2;
	s2 =	sshra.s32 s2, $0x7;
	s9 =	simm.s32 @!p0 $0x0  }
0x15d: {  	[tilespmem:s29+$0x6560] =	vst v2;
	s2 =	ssub.s32 s2, s9  }
0x15e: {  	[tilespmem:s29+$0x5CF0] =	vst v2;
	p0 =	sgt.s32 s2, $0x0  }
0x15f: {  	[tilespmem:s29+$0x6570] =	vst v2;
	s30 =	simm.s32 $0x8;
	(ifvalue) =	ssetifvalue @p0 $0xFFFFFFFF;
	s9 =	simm.s32 @p0 $0x80  }
0x160: {  	s10 =	simm.s32 @p0 $0x5C80;
	s11 =	simm.s32 @p0 $0x6D80;
	(ifvalue) =	ssetifvalue @p0 $0xFFFFFFFF  }
0x161: {  	[tilespmem:s11], [sflag:$0x9] =	stream.indirect.gather @p0 [hbm4b:s4+s9], $0x80, s10, s9, $0x40b8;
	[tilespmem:$0x1FD80] =	vst v63  }
0x162: {  	_ =	swait.ge [sflag:s30], $0x4400  }
0x163: {  	[sflag:s30] =	ssyncset.done $0x0  }
0x164: {  	[sflag:s30] =	ssyncadd.s32 $0xFFFFBC00  }
0x165: {  	_ =	swait.ge [sflag:s21], $0x4400  }
0x166: {  	[sflag:s21] =	ssyncset.done $0x0  }
0x167: {  	[sflag:s21] =	ssyncadd.s32 $0xFFFFBC00  }
0x168: {  	p0 =	slt.s32 s2, $0x1;
	_ =	swait.ge [sflag:s22], $0x4400  }
.Ltmp23:
0x169: {  	[sflag:s22] =	ssyncset.done $0x0;
	(pc) =	sbr.rel @p0 .LBB2_37-.Ltmp23, $4  }
0x16a: {  	[sflag:s22] =	ssyncadd.s32 $0xFFFFBC00  }
0x16b: {  	_ =	swait.ge [sflag:s23], $0x4400  }
0x16c: {  	[sflag:s23] =	ssyncset.done $0x0  }
0x16d: {  	[sflag:s23] =	ssyncadd.s32 $0xFFFFBC00  }
0x16e: {  	s9 =	simm.s32 $0x9;
	p0 =	seq.s32 s2, $0x1  }
.Ltmp24:
0x16f: {  	_ =	swait.ge [sflag:s9], $0x4000;
	(pc) =	sbr.rel @p0 .LBB2_36-.Ltmp24, $4  }
0x170: {  	[sflag:s9] =	ssyncset.done $0x0  }
0x171: {  	[sflag:s9] =	ssyncadd.s32 $0xFFFFC000;
	(ifvalue) =	ssetifvalue $0xFFFFFFFF  }
0x172: {  	s30 =	simm.s32 $0x6D80;
	(ifvalue) =	ssetifvalue $0xFFFFFFFF  }
0x173: {  	[hbm4b:s5+s25] =	stream.indirect.scatter [tilespmem:s30], [sflag:$0xB], $0x80, s26, s25, $0x40b8;
	[tilespmem:$0x1FD80] =	vst v63  }
0x174: {  	(ifvalue) =	ssetifvalue $0xFFFFFFFF;
	p1 =	sne.s32 s2, $0x2  }
.Ltmp25:
0x175: {  	s9 =	simm.s32 $0x5D00;
	s10 =	simm.s32 $0xAD80;
	(pc) =	sbr.rel @!p1 .LBB2_30-.Ltmp25, $4  }
0x176: {  	s29 =	simm.s32 $0x1;
	s11 =	simm.s32 $0x6580;
	(ifvalue) =	ssetifvalue $0xFFFFFFFF  }
0x177: {  	[tilespmem:s10], [sflag:$0xA] =	stream.indirect.gather [hbm4b:s4+s25], $0x80, s9, s25, $0x40b8;
	[tilespmem:$0x1FD80] =	vst v63  }
0x178: {  	s17 =	simm.s32 $0x2;
	p0 =	por $0x0, $0x0;
	s16 =	sand.u32 $0x1, s29  }
0x179: {  	s10 =	simm.s32 $0x5D80;
	s24 =	sshll.u32 s16, $0xE;
	s30 =	sxor.u32 $0x1, s16  }
0x17a: {  	s12 =	sadd.s32 $0x9, s16;
	s13 =	sand.u32 $0x1, s17  }
0x17b: {  	s15 =	simm.s32 $0x3;
	s14 =	sadd.s32 $0xB, s30;
	_ =	swait.ge [sflag:s12], $0x4000  }
0x17c: {  	s20 =	sadd.s32 $0x6D80, s24;
	s30 =	sadd.s32 $0xB, s16;
	[sflag:s12] =	ssyncset.done $0x0  }
0x17d: {  	p2 =	sne.s32 s2, $0x3;
	[sflag:s12] =	ssyncadd.s32 $0xFFFFC000;
	(ifvalue) =	ssetifvalue $0xFFFFFFFF  }
0x17e: {  	p1 =	sle.s32 s2, $0x2;
	s16 =	simm.s32 $0x5E00;
	(ifvalue) =	ssetifvalue $0xFFFFFFFF  }
0x17f: {  	[hbm4b:s5+s25] =	stream.indirect.scatter [tilespmem:s20], [sflag:s30], $0x80, s11, s25, $0x40b8;
	[tilespmem:$0x1FD80] =	vst v63  }
.Ltmp26:
0x180: {  	p0 =	por $0x1, $0x1;
	s17 =	sand.u32 @!p1 $0x1, s17;
	(pc) =	sbr.rel @!p2 .LBB2_32-.Ltmp26, $4  }
0x181: {  	s9 =	sshll.u32 s13, $0xE;
	s28 =	sadd.s32 @!p1 $0x9, s17;
	_ =	swait.ge [sflag:s14], $0x4000  }
0x182: {  	s12 =	sxor.u32 $0x1, s13;
	s11 =	simm.s32 $0x6600;
	[sflag:s14] =	ssyncset.done $0x0  }
0x183: {  	[sflag:s14] =	ssyncadd.s32 $0xFFFFC000;
	s14 =	sshll.u32 @!p1 s17, $0xE;
	(ifvalue) =	ssetifvalue @!p1 $0xFFFFFFFF  }
0x184: {  	s29 =	sadd.s32 @!p1 $0x6D80, s14;
	(ifvalue) =	ssetifvalue @!p1 $0xFFFFFFFF;
	s14 =	simm.s32 @!p1 $0x80  }
.LBB2_33:
0x185: {  	[tilespmem:s29], [sflag:s28] =	stream.indirect.gather @!p1 [hbm4b:s4+s14], $0x80, s10, s14, $0x40b8;
	[tilespmem:$0x1FD80] =	vst v63  }
0x186: {  	s14 =	smov.u32 s15;
	s17 =	smov.u32 s9;
	s10 =	smov.u32 s16  }
0x187: {  	s20 =	sand.u32 $0x1, s15;
	s15 =	sadd.s32 $0x1, s15;
	s24 =	sadd.s32 $0x9, s13  }
0x188: {  	s9 =	sshll.u32 s20, $0xE;
	s28 =	sxor.u32 $0x1, s20;
	_ =	swait.ge [sflag:s24], $0x4000  }
0x189: {  	p2 =	sne.s32 s2, s15;
	[sflag:s24] =	ssyncset.done $0x0  }
0x18a: {  	[sflag:s24] =	ssyncadd.s32 $0xFFFFC000  }
0x18b: {  	s24 =	sadd.s32 $0xB, s12;
	s12 =	smov.u32 s28;
	(ifvalue) =	ssetifvalue $0xFFFFFFFF  }
0x18c: {  	s13 =	sadd.s32 $0xB, s13;
	s17 =	sadd.s32 $0x6D80, s17;
	(ifvalue) =	ssetifvalue $0xFFFFFFFF  }
0x18d: {  	[hbm4b:s5+s25] =	stream.indirect.scatter [tilespmem:s17], [sflag:s13], $0x80, s11, s25, $0x40b8;
	[tilespmem:$0x1FD80] =	vst v63  }
.Ltmp27:
0x18e: {  	s13 =	smov.u32 s20;
	_ =	swait.ge [sflag:s24], $0x4000;
	(pc) =	sbr.rel @p2 .LBB2_33-.Ltmp27, $4  }
0x18f: {  	p1 =	sge.s32 s14, s2;
	s11 =	sadd.s32 $0x80, s11;
	[sflag:s24] =	ssyncset.done $0x0  }
0x190: {  	s16 =	sadd.s32 $0x80, s16;
	s14 =	sand.u32 @!p1 $0x1, s14;
	[sflag:s24] =	ssyncadd.s32 $0xFFFFC000  }
0x191: {  	s28 =	sadd.s32 @!p1 $0x9, s14;
	s17 =	sshll.u32 @!p1 s14, $0xE;
	(ifvalue) =	ssetifvalue @!p1 $0xFFFFFFFF  }
0x192: {  	s14 =	simm.s32 @!p1 $0x80;
	s29 =	sadd.s32 @!p1 $0x6D80, s17;
	(ifvalue) =	ssetifvalue @!p1 $0xFFFFFFFF  }
.Ltmp28:
0x193: {  	(pc) =	sbr.rel .LBB2_35-.Ltmp28, $3  }
0x194: {  	_ =	sdelay $0x1  }
0x195: {  	s20 =	smov.u32 s10;
	s17 =	smov.u32 s15;
	s24 =	smov.u32 s9  }
0x196: {  	s10 =	smov.u32 s16;
	s16 =	smov.u32 s13;
	s30 =	smov.u32 s12  }
.LBB2_32:
.Ltmp29:
0x197: {  	(pc) =	sbr.rel .LBB2_35-.Ltmp29, $3  }
0x198: {  	_ =	sdelay $0x1  }
0x199: {  	s20 =	simm.s32 $0x5D80;
	s17 =	simm.s32 $0x3;
	s24 =	smov.u32 s9  }
0x19a: {  	s10 =	simm.s32 $0x5E00;
	s16 =	smov.u32 s13;
	s30 =	smov.u32 s12  }
.LBB2_38:
0x19b: {  	_ =	sfence.sel $0x180000  }
0x19c: {  	[bflag:$0x0] =	sbarrier.arrive $0xFFFF  }
0x19d: {  	_ =	strace $0x90000047  }
0x19e: {  	s0 =	stileid.u32;
	[bflag:$0x2] =	sbarrier.arrive $0xFFFF  }
0x19f: {  	p0 =	sne.s32 s0, $0x0;
	s0 =	rddreg [dreg:$0x4]  }
0x1a0: {  	s0 =	sadd.s32 @!p0 $0x100000, s0  }
0x1a1: {  	[sflag:s0] =	ssyncadd.tile.s32 @!p0 $0x1;
	_ =	shalt  }
.Lfunc_end2:
_tile_overlayer_lowered:
.L_overlay_start_2:
0x1a2: {  	(tag) =	ssettag $0x2  }
0x1a3: {  	s0 =	rddreg [dreg:$0x0];
	s2 =	stileid.u32  }
0x1a4: {  	s1 =	rddreg [dreg:$0x1];
	p0 =	sne.s32 s2, $0x0  }
0x1a5: {  	s3 =	rddreg [dreg:$0x2];
	[bflag:$0x3] =	sbarrier.arrive $0xFFFF;
	s2 =	simm.s32 @!p0 $0x1C0D  }
0x1a6: {  	[timem:s3], [sflag:s2] =	dma.local @!p0 [hbm:s0], s1  }
0x1a7: {  	s0 =	simm.s32 @!p0 $0xD  }
0x1a8: {  	_ =	swait.ge @!p0 [sflag:s0], s1  }
0x1a9: {  	s1 =	ssub.s32 @!p0 $0x0, s1;
	[sflag:s0] =	ssyncset.done @!p0 $0x0  }
0x1aa: {  	[sflag:s0] =	ssyncadd.s32 @!p0 s1  }
0x1ab: {  	[bflag:$0x3] =	sbarrier.arrive $0xFFFF  }
0x1ac: {  	_ =	shalt  }

</sc_bundles>
